<compile_context>
chip_gen: v7x
topology: tpu7x:2x2x1
jax: 0.10.2.dev20260603
libtpu: 0.0.44.dev20260713+nightly
codegen_flags: <defaults>
</compile_context>

<pallas_src>
import jax
import jax.numpy as jnp
from jax import lax
from jax.experimental import pallas as pl
from jax.experimental.pallas import tpu as pltpu
from jax.experimental.pallas import tpu_sc as plsc

_B = 4096
_N2 = 361
_ROWS = _B * _N2
_L = 2 * _ROWS
_NW = 32
_NR = _ROWS // _NW
_BPT = _B // _NW
_NCH = 8
_BPC = 16
_RPC = _BPC * _N2
_RPAD = 5888
_NV = _RPAD // 16
_CE = 8192
_NVW = _CE // 16


def _sc_body(ip_hbm, ci_hbm, leg_hbm, cc_hbm, hist_hbm, pl_hbm, hash_hbm,
             d0_hbm, d1_hbm, ptab_hbm,
             nh_hbm, filt_hbm, p0_hbm, p1_hbm,
             ip_v, ipm1_v, g0_v, g1_v, lo_v, hi_v,
             leg_v, cc_v, nh_v, ch_v, d0_v, d1_v, ptab_v,
             pof_v, hsh_v, tst_v, d0s, d1s, hists, sem):
    sid = lax.axis_index("s")
    wid = sid * 2 + lax.axis_index("c")
    tr0 = wid * _NR
    tb0 = wid * _BPT
    lanes = lax.iota(jnp.int32, 16)
    zero16 = jnp.zeros((16,), jnp.int32)

    pltpu.sync_copy(ptab_hbm, ptab_v)

    @pl.when(sid == 0)
    def _():
        pltpu.sync_copy(d0_hbm, d0s)
        pltpu.sync_copy(d1_hbm, d1s)

    pltpu.sync_copy(hist_hbm.at[pl.ds(tb0 * _N2, _NR)],
                    hists.at[pl.ds(sid * _NR, _NR)])
    plsc.subcore_barrier()
    pltpu.sync_copy(ip_hbm.at[pl.ds(tr0, 16)], tst_v)
    e0 = tst_v[pl.ds(0, 16)][0]
    pltpu.sync_copy(ip_hbm.at[pl.ds(tr0 + _NR, 16)], tst_v)
    e1 = tst_v[pl.ds(0, 16)][0]
    e8 = e0 & jnp.int32(~127)
    n_win = lax.div(e1 - e8 + jnp.int32(_CE - 1), jnp.int32(_CE))
    pbase = wid * (_L + 2 * _CE)

    def window(i, carry):
        c0, c1 = carry
        base = pl.multiple_of(e8 + i * _CE, 128)
        pltpu.sync_copy(ci_hbm.at[pl.ds(base, _CE)], ch_v)
        cp0 = pltpu.async_copy(d0s.at[ch_v], d0_v, sem)
        cp1 = pltpu.async_copy(d1s.at[ch_v], d1_v, sem)
        cp0.wait()
        cp1.wait()

        def scan_vreg(j, carry):
            c0, c1 = carry
            o = j * 16
            own = (base + o + lanes) >= e0
            v0 = jnp.where(own, d0_v[pl.ds(o, 16)], 0)
            v1 = jnp.where(own, d1_v[pl.ds(o, 16)], 0)
            for k in (1, 2, 4, 8):
                src = jnp.maximum(lanes - k, 0)
                m = lanes >= k
                v0 = v0 ^ jnp.where(m, v0.at[src].get(mode="promise_in_bounds"), 0)
                v1 = v1 ^ jnp.where(m, v1.at[src].get(mode="promise_in_bounds"), 0)
            v0 = v0 ^ c0
            v1 = v1 ^ c1
            d0_v[pl.ds(o, 16)] = v0
            d1_v[pl.ds(o, 16)] = v1
            c0 = jnp.full((16,), v0[15], jnp.int32)
            c1 = jnp.full((16,), v1[15], jnp.int32)
            return c0, c1

        c0, c1 = lax.fori_loop(0, _NVW, scan_vreg, (c0, c1))
        pdst = pl.multiple_of(pbase + i * _CE, 128)
        pltpu.sync_copy(d0_v, p0_hbm.at[pl.ds(pdst, _CE)])
        pltpu.sync_copy(d1_v, p1_hbm.at[pl.ds(pdst, _CE)])
        return c0, c1

    lax.fori_loop(0, n_win, window, (zero16, zero16))

    def chunk(c, _):
        crow0 = pl.multiple_of(tr0 + c * _RPC, 16)
        cb0 = tb0 + c * _BPC
        sb0 = sid * _BPT + c * _BPC
        pltpu.sync_copy(ip_hbm.at[pl.ds(crow0, _RPAD)], ip_v)
        pltpu.sync_copy(leg_hbm.at[pl.ds(crow0, _RPC)], leg_v.at[pl.ds(0, _RPC)])
        pltpu.sync_copy(cc_hbm.at[pl.ds(crow0, _RPC)], cc_v.at[pl.ds(0, _RPC)])
        pltpu.sync_copy(pl_hbm.at[pl.ds(cb0 * 16, 256)], pof_v)
        pltpu.sync_copy(hash_hbm.at[pl.ds(cb0 * 16, 256)], hsh_v)

        def mk_ipm1(k, _):
            o = k * 16
            rel = jnp.maximum(ip_v[pl.ds(o, 16)] - 1 - e8, 0)
            ipm1_v[pl.ds(o, 16)] = pbase + rel
            return 0

        lax.fori_loop(0, _NV, mk_ipm1, 0)
        gp0 = pltpu.async_copy(p0_hbm.at[ipm1_v], g0_v, sem)
        gp1 = pltpu.async_copy(p1_hbm.at[ipm1_v], g1_v, sem)
        gp0.wait()
        gp1.wait()

        def batch(bi, _):
            pvec = pof_v[pl.ds(bi * 16, 16)]
            hvec = hsh_v[pl.ds(bi * 16, 16)]
            off = pvec[0] * _N2

            def vrow(jv, _):
                jo = jnp.minimum(jv * 16, _N2 - 16)
                r = bi * _N2 + jo
                ipa = ip_v[pl.ds(r, 16)]
                ipb = ip_v[pl.ds(r + 1, 16)]
                ga0 = jnp.where(ipa == e0, 0, g0_v[pl.ds(r, 16)])
                gb0 = jnp.where(ipb == e0, 0, g0_v[pl.ds(r + 1, 16)])
                ga1 = jnp.where(ipa == e0, 0, g1_v[pl.ds(r, 16)])
                gb1 = jnp.where(ipb == e0, 0, g1_v[pl.ds(r + 1, 16)])
                capd = jnp.where(pvec == 0, ga0 ^ gb0, ga1 ^ gb1)
                ki = (jnp.where(leg_v[pl.ds(r, 16)] != 0, 1, 0)
                      * jnp.where(cc_v[pl.ds(r, 16)] != 0, 1, 0))
                place = ptab_v[pl.ds(off + jo, 16)]
                nh = hvec ^ place ^ jnp.where(ki == 1, capd, 0)
                nh_v[pl.ds(r, 16)] = nh
                lo_v[pl.ds(r, 16)] = zero16
                hi_v[pl.ds(r, 16)] = jnp.full((16,), _N2, jnp.int32)
                ipm1_v[pl.ds(r, 16)] = jnp.full(
                    (16,), (sb0 + bi) * _N2 + (_N2 >> 1), jnp.int32)
                return 0

            lax.fori_loop(0, 23, vrow, 0)
            return 0

        lax.fori_loop(0, _BPC, batch, 0)

        def pad_init(k, _):
            lo_v[pl.ds(k * 16, 16)] = zero16
            hi_v[pl.ds(k * 16, 16)] = jnp.full((16,), _N2, jnp.int32)
            ipm1_v[pl.ds(k * 16, 16)] = jnp.full(
                (16,), (sb0 + _BPC) * _N2 + (_N2 >> 1), jnp.int32)
            return 0

        lax.fori_loop(_RPC // 16, _NV, pad_init, 0)

        def upd(k, _):
            o = k * 16
            lov = lo_v[pl.ds(o, 16)]
            hiv = hi_v[pl.ds(o, 16)]
            mid = (lov + hiv) >> 1
            gi = jnp.where(lov < hiv, 1, 0)
            li = jnp.where(cc_v[pl.ds(o, 16)] < nh_v[pl.ds(o, 16)], 1, 0)
            lov = jnp.where(gi * li == 1, mid + 1, lov)
            hiv = jnp.where(gi * (1 - li) == 1, mid, hiv)
            lo_v[pl.ds(o, 16)] = lov
            hi_v[pl.ds(o, 16)] = hiv
            b_l = lax.div(o + lanes, jnp.int32(_N2))
            hb = (sb0 + b_l) * _N2
            ipm1_v[pl.ds(o, 16)] = hb + jnp.clip((lov + hiv) >> 1, 0, _N2 - 1)
            return 0

        def search_step(_st, _):
            pltpu.async_copy(hists.at[ipm1_v], cc_v, sem).wait()
            lax.fori_loop(0, _NV, upd, 0)
            return 0

        lax.fori_loop(0, 9, search_step, 0)
        pltpu.async_copy(hists.at[ipm1_v], cc_v, sem).wait()

        def fin(k, _):
            o = k * 16
            lov = lo_v[pl.ds(o, 16)]
            f1 = jnp.where(lov < _N2, 1, 0)
            f2 = jnp.where(cc_v[pl.ds(o, 16)] == nh_v[pl.ds(o, 16)], 1, 0)
            l1 = jnp.where(leg_v[pl.ds(o, 16)] != 0, 1, 0)
            hi_v[pl.ds(o, 16)] = l1 * (1 - f1 * f2)
            return 0

        lax.fori_loop(0, _RPC // 16, fin, 0)
        pltpu.sync_copy(nh_v.at[pl.ds(0, _RPC)], nh_hbm.at[pl.ds(crow0, _RPC)])
        pltpu.sync_copy(hi_v.at[pl.ds(0, _RPC)],
                        filt_hbm.at[pl.ds(crow0, _RPC)])
        return 0

    lax.fori_loop(0, _NCH, chunk, 0)


_sc_call = pl.kernel(
    _sc_body,
    out_type=(jax.ShapeDtypeStruct((_ROWS,), jnp.int32),
              jax.ShapeDtypeStruct((_ROWS,), jnp.int32),
              jax.ShapeDtypeStruct((_NW * (_L + 2 * _CE),), jnp.int32),
              jax.ShapeDtypeStruct((_NW * (_L + 2 * _CE),), jnp.int32)),
    mesh=plsc.VectorSubcoreMesh(core_axis_name="c", subcore_axis_name="s"),
    scratch_types=[
        pltpu.VMEM((_RPAD,), jnp.int32),
        pltpu.VMEM((_RPAD,), jnp.int32),
        pltpu.VMEM((_RPAD,), jnp.int32),
        pltpu.VMEM((_RPAD,), jnp.int32),
        pltpu.VMEM((_RPAD,), jnp.int32),
        pltpu.VMEM((_RPAD,), jnp.int32),
        pltpu.VMEM((_RPAD,), jnp.int32),
        pltpu.VMEM((_RPAD,), jnp.int32),
        pltpu.VMEM((_RPAD,), jnp.int32),
        pltpu.VMEM((_CE,), jnp.int32),
        pltpu.VMEM((_CE,), jnp.int32),
        pltpu.VMEM((_CE,), jnp.int32),
        pltpu.VMEM((728,), jnp.int32),
        pltpu.VMEM((256,), jnp.int32),
        pltpu.VMEM((256,), jnp.int32),
        pltpu.VMEM((16,), jnp.int32),
        pltpu.VMEM_SHARED((368,), jnp.int32),
        pltpu.VMEM_SHARED((368,), jnp.int32),
        pltpu.VMEM_SHARED((16 * _NR + 368,), jnp.int32),
        pltpu.SemaphoreType.DMA,
    ],
    name="tensor_board_sc",
)


def kernel(legal_mask, current_player, current_hash, ZposT, cap_indptr,
           cap_indices, can_capture_any, hash_history):
    leg_i = legal_mask.reshape(_B, _N2).astype(jnp.int32).reshape(-1)
    cc_i = can_capture_any.astype(jnp.int32).reshape(-1)
    hist_sorted = jnp.concatenate(
        [jnp.sort(hash_history, axis=1).reshape(-1),
         jnp.zeros((512,), jnp.int32)])
    player = current_player.astype(jnp.int32)
    z0 = ZposT[0]
    zpad = jnp.zeros((7,), jnp.int32)
    d0 = jnp.concatenate([ZposT[2] ^ z0, zpad])
    d1 = jnp.concatenate([ZposT[1] ^ z0, zpad])
    ptab = jnp.concatenate([z0 ^ ZposT[1], z0 ^ ZposT[2],
                            jnp.zeros((6,), jnp.int32)])
    ip_pad = jnp.concatenate(
        [cap_indptr.astype(jnp.int32), jnp.full((127,), _L, jnp.int32)])
    ci_pad = jnp.concatenate(
        [cap_indices.astype(jnp.int32), jnp.zeros((_CE,), jnp.int32)])

    pl_rep = jnp.repeat(player, 16)
    hash_rep = jnp.repeat(current_hash, 16)
    nh, filt, _, _ = _sc_call(ip_pad, ci_pad, leg_i, cc_i, hist_sorted,
                              pl_rep, hash_rep, d0, d1, ptab)
    new_hash = nh.reshape(_B, _N2)
    filtered = filt.astype(jnp.bool_).reshape(_B, 19, 19)
    return filtered, new_hash

# --- scband reference (transcript-rebuilt; emitter-appended) ---
"""Pipeline reference for scband-tensor-board-4423816315112 (READ-ONLY COPY).

The authoritative reference and input builder live on the scoring server;
editing this copy changes nothing except your own understanding.
"""

import jax, jax.numpy as jnp
import numpy as np

B = 4096
H = W = 19
N2 = H * W
ROWS = B * N2
L = 2 * ROWS
MAXM = N2


def _segment_xor(vals, seg, num_segments):
    # XOR segment-reduce via per-bit parity (segment_sum mod 2)
    vals_u = vals.astype(jnp.uint32)
    out = jnp.zeros((num_segments,), dtype=jnp.uint32)
    for k in range(32):
        bit = ((vals_u >> k) & jnp.uint32(1)).astype(jnp.int32)
        parity = jax.ops.segment_sum(bit, seg, num_segments=num_segments) & 1
        out = out | (parity.astype(jnp.uint32) << k)
    return out.astype(jnp.int32)


def setup_inputs(seed: int = 0) -> dict:
    key = jax.random.key(seed)
    ks = jax.random.split(key, 8)
    legal_mask = jax.random.randint(ks[0], (B, H, W), 0, 2) > 0
    current_player = jax.random.randint(ks[1], (B,), 0, 2).astype(jnp.int32)
    current_hash = jax.random.randint(ks[2], (B,), 0, 2147483647, dtype=jnp.int32)
    ZposT = jax.random.randint(ks[3], (3, N2), 0, 2147483647, dtype=jnp.int32)
    inner = jnp.sort(jax.random.randint(ks[4], (ROWS - 1,), 0, L).astype(jnp.int32))
    cap_indptr = jnp.concatenate([jnp.zeros((1,), jnp.int32), inner, jnp.full((1,), L, jnp.int32)])
    cap_indices = jax.random.randint(ks[5], (L,), 0, N2).astype(jnp.int32)
    can_capture_any = jax.random.randint(ks[6], (B, N2), 0, 2) > 0
    hash_history = jax.random.randint(ks[7], (B, MAXM), 0, 2147483647, dtype=jnp.int32)
    return {
        "legal_mask": legal_mask,
        "current_player": current_player,
        "current_hash": current_hash,
        "ZposT": ZposT,
        "cap_indptr": cap_indptr,
        "cap_indices": cap_indices,
        "can_capture_any": can_capture_any,
        "hash_history": hash_history,
    }


def reference(legal_mask, current_player, current_hash, ZposT, cap_indptr, cap_indices, can_capture_any, hash_history):
    # Faithful translation of TensorBoard._filter_super_ko_vectorized (legal_moves path):
    # Zobrist delta for placing a stone, XOR of CSR capture lists, repeat check vs history.
    legal_flat = legal_mask.reshape(B, N2)
    player = current_player.astype(jnp.int32)
    opp = 1 - player
    z_empty = ZposT[0]
    z_place = jnp.take(ZposT, player + 1, axis=0)  # (B, N2)
    place_delta = jnp.bitwise_xor(z_empty[None, :], z_place)
    new_hash = jnp.bitwise_xor(current_hash[:, None], place_delta)
    Z_opp = jnp.take(ZposT, opp + 1, axis=0)  # (B, N2)
    D = jnp.bitwise_xor(Z_opp, z_empty[None, :])
    lens = cap_indptr[1:] - cap_indptr[:-1]
    keep = (legal_flat & can_capture_any).reshape(-1) & (lens > 0)
    # segment id per CSR element
    pos = jnp.arange(L, dtype=jnp.int32)
    seg = jnp.searchsorted(cap_indptr, pos, side="right") - 1
    b_of_seg = seg // N2
    vals = D[b_of_seg, cap_indices]  # gather captured-stone deltas
    vals = jnp.where(keep[seg], vals, jnp.int32(0))
    cap_delta = _segment_xor(vals, seg, ROWS)
    new_hash = jnp.bitwise_xor(new_hash, cap_delta.reshape(B, N2))
    # repeat mask against hash history (sorted + searchsorted membership)
    sorted_hist = jnp.sort(hash_history, axis=1)
    idx = jax.vmap(lambda h, q: jnp.searchsorted(h, q))(sorted_hist, new_hash)
    idx_c = jnp.clip(idx, 0, MAXM - 1)
    found = jnp.take_along_axis(sorted_hist, idx_c, axis=1) == new_hash
    filtered = legal_flat & jnp.logical_not(found)
    return filtered.reshape(B, H, W), new_hash

if __name__ == "__main__":
    import jax
    _d = setup_inputs()
    print(jax.jit(kernel)(*tuple(_d.values())))

</pallas_src>

<mosaic_0001>
#map = affine_map<(d0, d1) -> (0)>
module attributes {stable_mosaic.version = 14 : i64} {
  func.func @tensor_board_sc(%arg0: i32, %arg1: i32, %arg2: memref<1478784xi32, #tpu.memory_space<hbm>>, %arg3: memref<2965504xi32, #tpu.memory_space<hbm>>, %arg4: memref<1478656xi32, #tpu.memory_space<hbm>>, %arg5: memref<1478656xi32, #tpu.memory_space<hbm>>, %arg6: memref<1479168xi32, #tpu.memory_space<hbm>>, %arg7: memref<65536xi32, #tpu.memory_space<hbm>>, %arg8: memref<65536xi32, #tpu.memory_space<hbm>>, %arg9: memref<368xi32, #tpu.memory_space<hbm>>, %arg10: memref<368xi32, #tpu.memory_space<hbm>>, %arg11: memref<728xi32, #tpu.memory_space<hbm>>, %arg12: memref<1478656xi32, #tpu.memory_space<hbm>>, %arg13: memref<1478656xi32, #tpu.memory_space<hbm>>, %arg14: memref<95158272xi32, #tpu.memory_space<hbm>>, %arg15: memref<95158272xi32, #tpu.memory_space<hbm>>, %arg16: memref<5888xi32, #tpu.memory_space<vmem>>, %arg17: memref<5888xi32, #tpu.memory_space<vmem>>, %arg18: memref<5888xi32, #tpu.memory_space<vmem>>, %arg19: memref<5888xi32, #tpu.memory_space<vmem>>, %arg20: memref<5888xi32, #tpu.memory_space<vmem>>, %arg21: memref<5888xi32, #tpu.memory_space<vmem>>, %arg22: memref<5888xi32, #tpu.memory_space<vmem>>, %arg23: memref<5888xi32, #tpu.memory_space<vmem>>, %arg24: memref<5888xi32, #tpu.memory_space<vmem>>, %arg25: memref<8192xi32, #tpu.memory_space<vmem>>, %arg26: memref<8192xi32, #tpu.memory_space<vmem>>, %arg27: memref<8192xi32, #tpu.memory_space<vmem>>, %arg28: memref<728xi32, #tpu.memory_space<vmem>>, %arg29: memref<256xi32, #tpu.memory_space<vmem>>, %arg30: memref<256xi32, #tpu.memory_space<vmem>>, %arg31: memref<16xi32, #tpu.memory_space<vmem>>, %arg32: memref<368xi32, #tpu.memory_space<vmem_shared>>, %arg33: memref<368xi32, #tpu.memory_space<vmem_shared>>, %arg34: memref<739696xi32, #tpu.memory_space<vmem_shared>>, %arg35: memref<!tpu.dma_semaphore, #tpu.memory_space<semaphore_mem>>) attributes {dimension_semantics = [#tpu.dimension_semantics<core_parallel>, #tpu.dimension_semantics<subcore_parallel>], iteration_bounds = array<i64: 2, 16>, scalar_prefetch = 0 : i64, scratch_operands = 20 : i64, tpu.core_type = #tpu.core_type<sc_vector_subcore>, window_params = [{transform_indices = #map}, {transform_indices = #map}, {transform_indices = #map}, {transform_indices = #map}, {transform_indices = #map}, {transform_indices = #map}, {transform_indices = #map}, {transform_indices = #map}, {transform_indices = #map}, {transform_indices = #map}, {transform_indices = #map}, {transform_indices = #map}, {transform_indices = #map}, {transform_indices = #map}]} {
    %mul3A = arith.constant 2 : i32
    %mul3A_0 = arith.muli %arg1, %mul3A : i32
    %add3A = arith.addi %mul3A_0, %arg0 : i32
    %mul3A_1 = arith.constant 46208 : i32
    %mul3A_2 = arith.muli %add3A, %mul3A_1 : i32
    %mul3A_3 = arith.constant 128 : i32
    %mul3A_4 = arith.muli %add3A, %mul3A_3 : i32
    %iota3A = tpu.iota {dimensions = array<i32: 0>} : vector<16xi32>
    %broadcast_in_dim3A = arith.constant 0 : i32
    %broadcast_in_dim3A_5 = vector.broadcast %broadcast_in_dim3A : i32 to vector<16xi32>
    "tpu.region"() ({
      %run_scoped3A = tpu.sem_alloc : memref<!tpu.dma_semaphore, #tpu.memory_space<semaphore_mem>>
      tpu.enqueue_dma source(%arg11 : memref<728xi32, #tpu.memory_space<hbm>>) target(%arg28 : memref<728xi32, #tpu.memory_space<vmem>>) target_semaphore(%run_scoped3A : memref<!tpu.dma_semaphore, #tpu.memory_space<semaphore_mem>>)
      tpu.wait_dma2 semaphore(%run_scoped3A : memref<!tpu.dma_semaphore, #tpu.memory_space<semaphore_mem>>) src(%arg11 : memref<728xi32, #tpu.memory_space<hbm>>) dst(%arg28 : memref<728xi32, #tpu.memory_space<vmem>>)
      tpu.yield
    }) : () -> ()
    %eq3A = arith.constant 0 : i32
    %eq3A_6 = arith.cmpi eq, %arg1, %eq3A : i32
    %convert_element_type3A = arith.extui %eq3A_6 : i1 to i32
    %cond3A = arith.constant 0 : i32
    %cond3A_7 = arith.cmpi ne, %convert_element_type3A, %cond3A : i32
    scf.if %cond3A_7 {
      "tpu.region"() ({
        %run_scoped3A = tpu.sem_alloc : memref<!tpu.dma_semaphore, #tpu.memory_space<semaphore_mem>>
        tpu.enqueue_dma source(%arg9 : memref<368xi32, #tpu.memory_space<hbm>>) target(%arg32 : memref<368xi32, #tpu.memory_space<vmem_shared>>) target_semaphore(%run_scoped3A : memref<!tpu.dma_semaphore, #tpu.memory_space<semaphore_mem>>)
        tpu.wait_dma2 semaphore(%run_scoped3A : memref<!tpu.dma_semaphore, #tpu.memory_space<semaphore_mem>>) src(%arg9 : memref<368xi32, #tpu.memory_space<hbm>>) dst(%arg32 : memref<368xi32, #tpu.memory_space<vmem_shared>>)
        tpu.yield
      }) : () -> ()
      "tpu.region"() ({
        %run_scoped3A = tpu.sem_alloc : memref<!tpu.dma_semaphore, #tpu.memory_space<semaphore_mem>>
        tpu.enqueue_dma source(%arg10 : memref<368xi32, #tpu.memory_space<hbm>>) target(%arg33 : memref<368xi32, #tpu.memory_space<vmem_shared>>) target_semaphore(%run_scoped3A : memref<!tpu.dma_semaphore, #tpu.memory_space<semaphore_mem>>)
        tpu.wait_dma2 semaphore(%run_scoped3A : memref<!tpu.dma_semaphore, #tpu.memory_space<semaphore_mem>>) src(%arg10 : memref<368xi32, #tpu.memory_space<hbm>>) dst(%arg33 : memref<368xi32, #tpu.memory_space<vmem_shared>>)
        tpu.yield
      }) : () -> ()
    } else {
    }
    %mul3A_8 = arith.constant 361 : i32
    %mul3A_9 = arith.muli %mul3A_4, %mul3A_8 : i32
    %mul3A_10 = arith.constant 46208 : i32
    %mul3A_11 = arith.muli %arg1, %mul3A_10 : i32
    "tpu.region"() ({
      %run_scoped3A = tpu.sem_alloc : memref<!tpu.dma_semaphore, #tpu.memory_space<semaphore_mem>>
      %dma_start3A = tpu.memref_slice %arg34[%mul3A_11] : memref<739696xi32, #tpu.memory_space<vmem_shared>> -> memref<46208xi32, #tpu.memory_space<vmem_shared>>
      %dma_start3A_43 = tpu.memref_slice %arg6[%mul3A_9] : memref<1479168xi32, #tpu.memory_space<hbm>> -> memref<46208xi32, #tpu.memory_space<hbm>>
      tpu.enqueue_dma source(%dma_start3A_43 : memref<46208xi32, #tpu.memory_space<hbm>>) target(%dma_start3A : memref<46208xi32, #tpu.memory_space<vmem_shared>>) target_semaphore(%run_scoped3A : memref<!tpu.dma_semaphore, #tpu.memory_space<semaphore_mem>>)
      %dma_wait3A = tpu.memref_slice %arg34[%mul3A_11] : memref<739696xi32, #tpu.memory_space<vmem_shared>> -> memref<46208xi32, #tpu.memory_space<vmem_shared>>
      %dma_wait3A_44 = tpu.memref_slice %arg6[%mul3A_9] : memref<1479168xi32, #tpu.memory_space<hbm>> -> memref<46208xi32, #tpu.memory_space<hbm>>
      tpu.wait_dma2 semaphore(%run_scoped3A : memref<!tpu.dma_semaphore, #tpu.memory_space<semaphore_mem>>) src(%dma_wait3A_44 : memref<46208xi32, #tpu.memory_space<hbm>>) dst(%dma_wait3A : memref<46208xi32, #tpu.memory_space<vmem_shared>>)
      tpu.yield
    }) : () -> ()
    %barrier3A = arith.constant 0 : index
    tpu.barrier barrier_id(%barrier3A)
    "tpu.region"() ({
      %run_scoped3A = tpu.sem_alloc : memref<!tpu.dma_semaphore, #tpu.memory_space<semaphore_mem>>
      %dma_start3A = tpu.memref_slice %arg2[%mul3A_2] : memref<1478784xi32, #tpu.memory_space<hbm>> -> memref<16xi32, #tpu.memory_space<hbm>>
      %dma_start3A_43 = tpu.memref_slice %arg2[%mul3A_2] : memref<1478784xi32, #tpu.memory_space<hbm>> -> memref<16xi32, #tpu.memory_space<hbm>>
      tpu.enqueue_dma source(%dma_start3A_43 : memref<16xi32, #tpu.memory_space<hbm>>) target(%arg31 : memref<16xi32, #tpu.memory_space<vmem>>) target_semaphore(%run_scoped3A : memref<!tpu.dma_semaphore, #tpu.memory_space<semaphore_mem>>)
      %dma_wait3A = tpu.memref_slice %arg2[%mul3A_2] : memref<1478784xi32, #tpu.memory_space<hbm>> -> memref<16xi32, #tpu.memory_space<hbm>>
      %dma_wait3A_44 = tpu.memref_slice %arg2[%mul3A_2] : memref<1478784xi32, #tpu.memory_space<hbm>> -> memref<16xi32, #tpu.memory_space<hbm>>
      tpu.wait_dma2 semaphore(%run_scoped3A : memref<!tpu.dma_semaphore, #tpu.memory_space<semaphore_mem>>) src(%dma_wait3A_44 : memref<16xi32, #tpu.memory_space<hbm>>) dst(%arg31 : memref<16xi32, #tpu.memory_space<vmem>>)
      tpu.yield
    }) : () -> ()
    %get3A = arith.constant 0 : index
    %get3A_12 = tpu.vector_load %arg31[%get3A] {strides = array<i32>} : memref<16xi32, #tpu.memory_space<vmem>>, vector<16xi32>,
    %get3A_13 = vector.shape_cast %get3A_12 : vector<16xi32> to vector<16xi32>
    %slice3A = vector.extract_strided_slice %get3A_13 {offsets = [0], sizes = [1], strides = [1]} : vector<16xi32> to vector<1xi32>
    %squeeze3A = vector.extract %slice3A[0] : i32 from vector<1xi32>
    %add3A_14 = arith.constant 46208 : i32
    %add3A_15 = arith.addi %mul3A_2, %add3A_14 : i32
    "tpu.region"() ({
      %run_scoped3A = tpu.sem_alloc : memref<!tpu.dma_semaphore, #tpu.memory_space<semaphore_mem>>
      %dma_start3A = tpu.memref_slice %arg2[%add3A_15] : memref<1478784xi32, #tpu.memory_space<hbm>> -> memref<16xi32, #tpu.memory_space<hbm>>
      %dma_start3A_43 = tpu.memref_slice %arg2[%add3A_15] : memref<1478784xi32, #tpu.memory_space<hbm>> -> memref<16xi32, #tpu.memory_space<hbm>>
      tpu.enqueue_dma source(%dma_start3A_43 : memref<16xi32, #tpu.memory_space<hbm>>) target(%arg31 : memref<16xi32, #tpu.memory_space<vmem>>) target_semaphore(%run_scoped3A : memref<!tpu.dma_semaphore, #tpu.memory_space<semaphore_mem>>)
      %dma_wait3A = tpu.memref_slice %arg2[%add3A_15] : memref<1478784xi32, #tpu.memory_space<hbm>> -> memref<16xi32, #tpu.memory_space<hbm>>
      %dma_wait3A_44 = tpu.memref_slice %arg2[%add3A_15] : memref<1478784xi32, #tpu.memory_space<hbm>> -> memref<16xi32, #tpu.memory_space<hbm>>
      tpu.wait_dma2 semaphore(%run_scoped3A : memref<!tpu.dma_semaphore, #tpu.memory_space<semaphore_mem>>) src(%dma_wait3A_44 : memref<16xi32, #tpu.memory_space<hbm>>) dst(%arg31 : memref<16xi32, #tpu.memory_space<vmem>>)
      tpu.yield
    }) : () -> ()
    %get3A_16 = arith.constant 0 : index
    %get3A_17 = tpu.vector_load %arg31[%get3A_16] {strides = array<i32>} : memref<16xi32, #tpu.memory_space<vmem>>, vector<16xi32>,
    %get3A_18 = vector.shape_cast %get3A_17 : vector<16xi32> to vector<16xi32>
    %slice3A_19 = vector.extract_strided_slice %get3A_18 {offsets = [0], sizes = [1], strides = [1]} : vector<16xi32> to vector<1xi32>
    %squeeze3A_20 = vector.extract %slice3A_19[0] : i32 from vector<1xi32>
    %and3A = arith.constant -128 : i32
    %and3A_21 = arith.andi %squeeze3A, %and3A : i32
    %sub3A = arith.subi %squeeze3A_20, %and3A_21 : i32
    %add3A_22 = arith.constant 8191 : i32
    %add3A_23 = arith.addi %sub3A, %add3A_22 : i32
    %div3A = arith.constant 8192 : i32
    %div3A_24 = arith.divsi %add3A_23, %div3A : i32
    %mul3A_25 = arith.constant 2973696 : i32
    %mul3A_26 = arith.muli %add3A, %mul3A_25 : i32
    %while3A = arith.constant 0 : i32
    %while3A_27 = arith.subi %div3A_24, %while3A : i32
    %while3A_28 = arith.addi %while3A, %while3A_27 : i32
    %while3A_29 = arith.constant 1 : i32
    %while3A_30 = arith.divsi %while3A_27, %while3A_29 : i32
    %while3A_31 = arith.muli %while3A_30, %while3A_29 : i32
    %while3A_32 = arith.addi %while3A, %while3A_31 : i32
    %while3A_33 = arith.constant 1 : i32
    %while3A_34:2 = scf.for %while3A_43 = %while3A to %while3A_32 step %while3A_33 iter_args(%while3A_44 = %broadcast_in_dim3A_5, %while3A_45 = %broadcast_in_dim3A_5) -> (vector<16xi32>, vector<16xi32>)  : i32 {
      %mul3A_46 = arith.constant 8192 : i32
      %mul3A_47 = arith.muli %while3A_43, %mul3A_46 : i32
      %add3A_48 = arith.addi %and3A_21, %mul3A_47 : i32
      %multiple_of3A = tpu.assume_multiple %add3A_48, 128 : i32
      "tpu.region"() ({
        %run_scoped3A = tpu.sem_alloc : memref<!tpu.dma_semaphore, #tpu.memory_space<semaphore_mem>>
        %dma_start3A_65 = tpu.memref_slice %arg3[%multiple_of3A] : memref<2965504xi32, #tpu.memory_space<hbm>> -> memref<8192xi32, #tpu.memory_space<hbm>>
        %dma_start3A_66 = tpu.memref_slice %arg3[%multiple_of3A] : memref<2965504xi32, #tpu.memory_space<hbm>> -> memref<8192xi32, #tpu.memory_space<hbm>>
        tpu.enqueue_dma source(%dma_start3A_66 : memref<8192xi32, #tpu.memory_space<hbm>>) target(%arg25 : memref<8192xi32, #tpu.memory_space<vmem>>) target_semaphore(%run_scoped3A : memref<!tpu.dma_semaphore, #tpu.memory_space<semaphore_mem>>)
        %dma_wait3A_67 = tpu.memref_slice %arg3[%multiple_of3A] : memref<2965504xi32, #tpu.memory_space<hbm>> -> memref<8192xi32, #tpu.memory_space<hbm>>
        %dma_wait3A_68 = tpu.memref_slice %arg3[%multiple_of3A] : memref<2965504xi32, #tpu.memory_space<hbm>> -> memref<8192xi32, #tpu.memory_space<hbm>>
        tpu.wait_dma2 semaphore(%run_scoped3A : memref<!tpu.dma_semaphore, #tpu.memory_space<semaphore_mem>>) src(%dma_wait3A_68 : memref<8192xi32, #tpu.memory_space<hbm>>) dst(%arg25 : memref<8192xi32, #tpu.memory_space<vmem>>)
        tpu.yield
      }) : () -> ()
      %dma_start3A = arith.constant 0 : i32
      %dma_start3A_49 = tpu.memref_slice %arg32[%dma_start3A] : memref<368xi32, #tpu.memory_space<vmem_shared>> -> memref<368xi32, #tpu.memory_space<vmem_shared>>
      tpu.enqueue_indirect_dma source(%dma_start3A_49 : memref<368xi32, #tpu.memory_space<vmem_shared>>) target(%arg26 : memref<8192xi32, #tpu.memory_space<vmem>>) offsets(%arg25 : memref<8192xi32, #tpu.memory_space<vmem>>) semaphore(%arg35 : memref<!tpu.dma_semaphore, #tpu.memory_space<semaphore_mem>>)
      %dma_start3A_50 = arith.constant 0 : i32
      %dma_start3A_51 = tpu.memref_slice %arg33[%dma_start3A_50] : memref<368xi32, #tpu.memory_space<vmem_shared>> -> memref<368xi32, #tpu.memory_space<vmem_shared>>
      tpu.enqueue_indirect_dma source(%dma_start3A_51 : memref<368xi32, #tpu.memory_space<vmem_shared>>) target(%arg27 : memref<8192xi32, #tpu.memory_space<vmem>>) offsets(%arg25 : memref<8192xi32, #tpu.memory_space<vmem>>) semaphore(%arg35 : memref<!tpu.dma_semaphore, #tpu.memory_space<semaphore_mem>>)
      %dma_wait3A = arith.constant 0 : i32
      %dma_wait3A_52 = tpu.memref_slice %arg32[%dma_wait3A] : memref<368xi32, #tpu.memory_space<vmem_shared>> -> memref<368xi32, #tpu.memory_space<vmem_shared>>
      tpu.wait_indirect_dma semaphore(%arg35 : memref<!tpu.dma_semaphore, #tpu.memory_space<semaphore_mem>>) src(%dma_wait3A_52 : memref<368xi32, #tpu.memory_space<vmem_shared>>) dst(%arg26 : memref<8192xi32, #tpu.memory_space<vmem>>)
      %dma_wait3A_53 = arith.constant 0 : i32
      %dma_wait3A_54 = tpu.memref_slice %arg33[%dma_wait3A_53] : memref<368xi32, #tpu.memory_space<vmem_shared>> -> memref<368xi32, #tpu.memory_space<vmem_shared>>
      tpu.wait_indirect_dma semaphore(%arg35 : memref<!tpu.dma_semaphore, #tpu.memory_space<semaphore_mem>>) src(%dma_wait3A_54 : memref<368xi32, #tpu.memory_space<vmem_shared>>) dst(%arg27 : memref<8192xi32, #tpu.memory_space<vmem>>)
      %scan3A_55 = arith.constant 0 : i32
      %scan3A_56 = arith.constant 512 : i32
      %scan3A_57 = arith.addi %scan3A_55, %scan3A_56 : i32
      %scan3A_58 = arith.constant 1 : i32
      %scan3A_59:2 = scf.for %scan3A_65 = %scan3A_55 to %scan3A_57 step %scan3A_58 iter_args(%scan3A_66 = %while3A_44, %scan3A_67 = %while3A_45) -> (vector<16xi32>, vector<16xi32>)  : i32 {
        %mul3A_68 = arith.constant 16 : i32
        %mul3A_69 = arith.muli %scan3A_65, %mul3A_68 : i32
        %add3A_70 = arith.addi %multiple_of3A, %mul3A_69 : i32
        %add3A_71 = vector.broadcast %add3A_70 : i32 to vector<16xi32>
        %add3A_72 = arith.addi %add3A_71, %iota3A : vector<16xi32>
        %ge3A = vector.broadcast %squeeze3A : i32 to vector<16xi32>
        %ge3A_73 = arith.cmpi sge, %add3A_72, %ge3A : vector<16xi32>
        %get3A_74 = arith.index_cast %mul3A_69 : i32 to index
        %get3A_75 = tpu.vector_load %arg26[%get3A_74] {strides = array<i32>} : memref<8192xi32, #tpu.memory_space<vmem>>, vector<16xi32>,
        %get3A_76 = vector.shape_cast %get3A_75 : vector<16xi32> to vector<16xi32>
        %jit3A = arith.constant 0 : i32
        %broadcast_in_dim3A_77 = vector.broadcast %jit3A : i32 to vector<16xi32>
        %select_n3A = arith.select %ge3A_73, %get3A_76, %broadcast_in_dim3A_77 : vector<16xi1>, vector<16xi32>
        %get3A_78 = arith.index_cast %mul3A_69 : i32 to index
        %get3A_79 = tpu.vector_load %arg27[%get3A_78] {strides = array<i32>} : memref<8192xi32, #tpu.memory_space<vmem>>, vector<16xi32>,
        %get3A_80 = vector.shape_cast %get3A_79 : vector<16xi32> to vector<16xi32>
        %jit3A_81 = arith.constant 0 : i32
        %broadcast_in_dim3A_82 = vector.broadcast %jit3A_81 : i32 to vector<16xi32>
        %select_n3A_83 = arith.select %ge3A_73, %get3A_80, %broadcast_in_dim3A_82 : vector<16xi1>, vector<16xi32>
        %sub3A_84 = arith.constant 1 : i32
        %sub3A_85 = vector.broadcast %sub3A_84 : i32 to vector<16xi32>
        %sub3A_86 = arith.subi %iota3A, %sub3A_85 : vector<16xi32>
        %max3A = arith.constant 0 : i32
        %max3A_87 = vector.broadcast %max3A : i32 to vector<16xi32>
        %max3A_88 = arith.maxsi %sub3A_86, %max3A_87 : vector<16xi32>
        %ge3A_89 = arith.constant 1 : i32
        %ge3A_90 = vector.broadcast %ge3A_89 : i32 to vector<16xi32>
        %ge3A_91 = arith.cmpi sge, %iota3A, %ge3A_90 : vector<16xi32>
        %lt3A = arith.constant 0 : i32
        %lt3A_92 = vector.broadcast %lt3A : i32 to vector<16xi32>
        %lt3A_93 = arith.cmpi slt, %max3A_88, %lt3A_92 : vector<16xi32>
        %add3A_94 = arith.constant 16 : i32
        %add3A_95 = vector.broadcast %add3A_94 : i32 to vector<16xi32>
        %add3A_96 = arith.addi %max3A_88, %add3A_95 : vector<16xi32>
        %select_n3A_97 = arith.select %lt3A_93, %add3A_96, %max3A_88 : vector<16xi1>, vector<16xi32>
        %broadcast_in_dim3A_98 = vector.shape_cast %select_n3A_97 : vector<16xi32> to vector<16x1xi32>
        %gather3A = vector.shape_cast %broadcast_in_dim3A_98 : vector<16x1xi32> to vector<16xi32>
        %gather3A_99 = tpu.dynamic_gather %select_n3A[%gather3A] in [0] : vector<16xi32>, vector<16xi32> -> vector<16xi32>
        %jit3A_100 = arith.constant 0 : i32
        %broadcast_in_dim3A_101 = vector.broadcast %jit3A_100 : i32 to vector<16xi32>
        %select_n3A_102 = arith.select %ge3A_91, %gather3A_99, %broadcast_in_dim3A_101 : vector<16xi1>, vector<16xi32>
        %xor3A = arith.xori %select_n3A, %select_n3A_102 : vector<16xi32>
        %lt3A_103 = arith.constant 0 : i32
        %lt3A_104 = vector.broadcast %lt3A_103 : i32 to vector<16xi32>
        %lt3A_105 = arith.cmpi slt, %max3A_88, %lt3A_104 : vector<16xi32>
        %add3A_106 = arith.constant 16 : i32
        %add3A_107 = vector.broadcast %add3A_106 : i32 to vector<16xi32>
        %add3A_108 = arith.addi %max3A_88, %add3A_107 : vector<16xi32>
        %select_n3A_109 = arith.select %lt3A_105, %add3A_108, %max3A_88 : vector<16xi1>, vector<16xi32>
        %broadcast_in_dim3A_110 = vector.shape_cast %select_n3A_109 : vector<16xi32> to vector<16x1xi32>
        %gather3A_111 = vector.shape_cast %broadcast_in_dim3A_110 : vector<16x1xi32> to vector<16xi32>
        %gather3A_112 = tpu.dynamic_gather %select_n3A_83[%gather3A_111] in [0] : vector<16xi32>, vector<16xi32> -> vector<16xi32>
        %jit3A_113 = arith.constant 0 : i32
        %broadcast_in_dim3A_114 = vector.broadcast %jit3A_113 : i32 to vector<16xi32>
        %select_n3A_115 = arith.select %ge3A_91, %gather3A_112, %broadcast_in_dim3A_114 : vector<16xi1>, vector<16xi32>
        %xor3A_116 = arith.xori %select_n3A_83, %select_n3A_115 : vector<16xi32>
        %sub3A_117 = arith.constant 2 : i32
        %sub3A_118 = vector.broadcast %sub3A_117 : i32 to vector<16xi32>
        %sub3A_119 = arith.subi %iota3A, %sub3A_118 : vector<16xi32>
        %max3A_120 = arith.constant 0 : i32
        %max3A_121 = vector.broadcast %max3A_120 : i32 to vector<16xi32>
        %max3A_122 = arith.maxsi %sub3A_119, %max3A_121 : vector<16xi32>
        %ge3A_123 = arith.constant 2 : i32
        %ge3A_124 = vector.broadcast %ge3A_123 : i32 to vector<16xi32>
        %ge3A_125 = arith.cmpi sge, %iota3A, %ge3A_124 : vector<16xi32>
        %lt3A_126 = arith.constant 0 : i32
        %lt3A_127 = vector.broadcast %lt3A_126 : i32 to vector<16xi32>
        %lt3A_128 = arith.cmpi slt, %max3A_122, %lt3A_127 : vector<16xi32>
        %add3A_129 = arith.constant 16 : i32
        %add3A_130 = vector.broadcast %add3A_129 : i32 to vector<16xi32>
        %add3A_131 = arith.addi %max3A_122, %add3A_130 : vector<16xi32>
        %select_n3A_132 = arith.select %lt3A_128, %add3A_131, %max3A_122 : vector<16xi1>, vector<16xi32>
        %broadcast_in_dim3A_133 = vector.shape_cast %select_n3A_132 : vector<16xi32> to vector<16x1xi32>
        %gather3A_134 = vector.shape_cast %broadcast_in_dim3A_133 : vector<16x1xi32> to vector<16xi32>
        %gather3A_135 = tpu.dynamic_gather %xor3A[%gather3A_134] in [0] : vector<16xi32>, vector<16xi32> -> vector<16xi32>
        %jit3A_136 = arith.constant 0 : i32
        %broadcast_in_dim3A_137 = vector.broadcast %jit3A_136 : i32 to vector<16xi32>
        %select_n3A_138 = arith.select %ge3A_125, %gather3A_135, %broadcast_in_dim3A_137 : vector<16xi1>, vector<16xi32>
        %xor3A_139 = arith.xori %xor3A, %select_n3A_138 : vector<16xi32>
        %lt3A_140 = arith.constant 0 : i32
        %lt3A_141 = vector.broadcast %lt3A_140 : i32 to vector<16xi32>
        %lt3A_142 = arith.cmpi slt, %max3A_122, %lt3A_141 : vector<16xi32>
        %add3A_143 = arith.constant 16 : i32
        %add3A_144 = vector.broadcast %add3A_143 : i32 to vector<16xi32>
        %add3A_145 = arith.addi %max3A_122, %add3A_144 : vector<16xi32>
        %select_n3A_146 = arith.select %lt3A_142, %add3A_145, %max3A_122 : vector<16xi1>, vector<16xi32>
        %broadcast_in_dim3A_147 = vector.shape_cast %select_n3A_146 : vector<16xi32> to vector<16x1xi32>
        %gather3A_148 = vector.shape_cast %broadcast_in_dim3A_147 : vector<16x1xi32> to vector<16xi32>
        %gather3A_149 = tpu.dynamic_gather %xor3A_116[%gather3A_148] in [0] : vector<16xi32>, vector<16xi32> -> vector<16xi32>
        %jit3A_150 = arith.constant 0 : i32
        %broadcast_in_dim3A_151 = vector.broadcast %jit3A_150 : i32 to vector<16xi32>
        %select_n3A_152 = arith.select %ge3A_125, %gather3A_149, %broadcast_in_dim3A_151 : vector<16xi1>, vector<16xi32>
        %xor3A_153 = arith.xori %xor3A_116, %select_n3A_152 : vector<16xi32>
        %sub3A_154 = arith.constant 4 : i32
        %sub3A_155 = vector.broadcast %sub3A_154 : i32 to vector<16xi32>
        %sub3A_156 = arith.subi %iota3A, %sub3A_155 : vector<16xi32>
        %max3A_157 = arith.constant 0 : i32
        %max3A_158 = vector.broadcast %max3A_157 : i32 to vector<16xi32>
        %max3A_159 = arith.maxsi %sub3A_156, %max3A_158 : vector<16xi32>
        %ge3A_160 = arith.constant 4 : i32
        %ge3A_161 = vector.broadcast %ge3A_160 : i32 to vector<16xi32>
        %ge3A_162 = arith.cmpi sge, %iota3A, %ge3A_161 : vector<16xi32>
        %lt3A_163 = arith.constant 0 : i32
        %lt3A_164 = vector.broadcast %lt3A_163 : i32 to vector<16xi32>
        %lt3A_165 = arith.cmpi slt, %max3A_159, %lt3A_164 : vector<16xi32>
        %add3A_166 = arith.constant 16 : i32
        %add3A_167 = vector.broadcast %add3A_166 : i32 to vector<16xi32>
        %add3A_168 = arith.addi %max3A_159, %add3A_167 : vector<16xi32>
        %select_n3A_169 = arith.select %lt3A_165, %add3A_168, %max3A_159 : vector<16xi1>, vector<16xi32>
        %broadcast_in_dim3A_170 = vector.shape_cast %select_n3A_169 : vector<16xi32> to vector<16x1xi32>
        %gather3A_171 = vector.shape_cast %broadcast_in_dim3A_170 : vector<16x1xi32> to vector<16xi32>
        %gather3A_172 = tpu.dynamic_gather %xor3A_139[%gather3A_171] in [0] : vector<16xi32>, vector<16xi32> -> vector<16xi32>
        %jit3A_173 = arith.constant 0 : i32
        %broadcast_in_dim3A_174 = vector.broadcast %jit3A_173 : i32 to vector<16xi32>
        %select_n3A_175 = arith.select %ge3A_162, %gather3A_172, %broadcast_in_dim3A_174 : vector<16xi1>, vector<16xi32>
        %xor3A_176 = arith.xori %xor3A_139, %select_n3A_175 : vector<16xi32>
        %lt3A_177 = arith.constant 0 : i32
        %lt3A_178 = vector.broadcast %lt3A_177 : i32 to vector<16xi32>
        %lt3A_179 = arith.cmpi slt, %max3A_159, %lt3A_178 : vector<16xi32>
        %add3A_180 = arith.constant 16 : i32
        %add3A_181 = vector.broadcast %add3A_180 : i32 to vector<16xi32>
        %add3A_182 = arith.addi %max3A_159, %add3A_181 : vector<16xi32>
        %select_n3A_183 = arith.select %lt3A_179, %add3A_182, %max3A_159 : vector<16xi1>, vector<16xi32>
        %broadcast_in_dim3A_184 = vector.shape_cast %select_n3A_183 : vector<16xi32> to vector<16x1xi32>
        %gather3A_185 = vector.shape_cast %broadcast_in_dim3A_184 : vector<16x1xi32> to vector<16xi32>
        %gather3A_186 = tpu.dynamic_gather %xor3A_153[%gather3A_185] in [0] : vector<16xi32>, vector<16xi32> -> vector<16xi32>
        %jit3A_187 = arith.constant 0 : i32
        %broadcast_in_dim3A_188 = vector.broadcast %jit3A_187 : i32 to vector<16xi32>
        %select_n3A_189 = arith.select %ge3A_162, %gather3A_186, %broadcast_in_dim3A_188 : vector<16xi1>, vector<16xi32>
        %xor3A_190 = arith.xori %xor3A_153, %select_n3A_189 : vector<16xi32>
        %sub3A_191 = arith.constant 8 : i32
        %sub3A_192 = vector.broadcast %sub3A_191 : i32 to vector<16xi32>
        %sub3A_193 = arith.subi %iota3A, %sub3A_192 : vector<16xi32>
        %max3A_194 = arith.constant 0 : i32
        %max3A_195 = vector.broadcast %max3A_194 : i32 to vector<16xi32>
        %max3A_196 = arith.maxsi %sub3A_193, %max3A_195 : vector<16xi32>
        %ge3A_197 = arith.constant 8 : i32
        %ge3A_198 = vector.broadcast %ge3A_197 : i32 to vector<16xi32>
        %ge3A_199 = arith.cmpi sge, %iota3A, %ge3A_198 : vector<16xi32>
        %lt3A_200 = arith.constant 0 : i32
        %lt3A_201 = vector.broadcast %lt3A_200 : i32 to vector<16xi32>
        %lt3A_202 = arith.cmpi slt, %max3A_196, %lt3A_201 : vector<16xi32>
        %add3A_203 = arith.constant 16 : i32
        %add3A_204 = vector.broadcast %add3A_203 : i32 to vector<16xi32>
        %add3A_205 = arith.addi %max3A_196, %add3A_204 : vector<16xi32>
        %select_n3A_206 = arith.select %lt3A_202, %add3A_205, %max3A_196 : vector<16xi1>, vector<16xi32>
        %broadcast_in_dim3A_207 = vector.shape_cast %select_n3A_206 : vector<16xi32> to vector<16x1xi32>
        %gather3A_208 = vector.shape_cast %broadcast_in_dim3A_207 : vector<16x1xi32> to vector<16xi32>
        %gather3A_209 = tpu.dynamic_gather %xor3A_176[%gather3A_208] in [0] : vector<16xi32>, vector<16xi32> -> vector<16xi32>
        %jit3A_210 = arith.constant 0 : i32
        %broadcast_in_dim3A_211 = vector.broadcast %jit3A_210 : i32 to vector<16xi32>
        %select_n3A_212 = arith.select %ge3A_199, %gather3A_209, %broadcast_in_dim3A_211 : vector<16xi1>, vector<16xi32>
        %xor3A_213 = arith.xori %xor3A_176, %select_n3A_212 : vector<16xi32>
        %lt3A_214 = arith.constant 0 : i32
        %lt3A_215 = vector.broadcast %lt3A_214 : i32 to vector<16xi32>
        %lt3A_216 = arith.cmpi slt, %max3A_196, %lt3A_215 : vector<16xi32>
        %add3A_217 = arith.constant 16 : i32
        %add3A_218 = vector.broadcast %add3A_217 : i32 to vector<16xi32>
        %add3A_219 = arith.addi %max3A_196, %add3A_218 : vector<16xi32>
        %select_n3A_220 = arith.select %lt3A_216, %add3A_219, %max3A_196 : vector<16xi1>, vector<16xi32>
        %broadcast_in_dim3A_221 = vector.shape_cast %select_n3A_220 : vector<16xi32> to vector<16x1xi32>
        %gather3A_222 = vector.shape_cast %broadcast_in_dim3A_221 : vector<16x1xi32> to vector<16xi32>
        %gather3A_223 = tpu.dynamic_gather %xor3A_190[%gather3A_222] in [0] : vector<16xi32>, vector<16xi32> -> vector<16xi32>
        %jit3A_224 = arith.constant 0 : i32
        %broadcast_in_dim3A_225 = vector.broadcast %jit3A_224 : i32 to vector<16xi32>
        %select_n3A_226 = arith.select %ge3A_199, %gather3A_223, %broadcast_in_dim3A_225 : vector<16xi1>, vector<16xi32>
        %xor3A_227 = arith.xori %xor3A_190, %select_n3A_226 : vector<16xi32>
        %xor3A_228 = arith.xori %xor3A_213, %scan3A_66 : vector<16xi32>
        %xor3A_229 = arith.xori %xor3A_227, %scan3A_67 : vector<16xi32>
        %swap3A = arith.index_cast %mul3A_69 : i32 to index
        %swap3A_230 = tpu.vector_load %arg26[%swap3A] {strides = array<i32>} : memref<8192xi32, #tpu.memory_space<vmem>>, vector<16xi32>,
        %swap3A_231 = vector.shape_cast %swap3A_230 : vector<16xi32> to vector<16xi32>
        %swap3A_232 = vector.shape_cast %xor3A_228 : vector<16xi32> to vector<16xi32>
        tpu.vector_store %arg26[%swap3A], %swap3A_232 {strides = array<i32>} : memref<8192xi32, #tpu.memory_space<vmem>>, vector<16xi32>,
        %swap3A_233 = arith.index_cast %mul3A_69 : i32 to index
        %swap3A_234 = tpu.vector_load %arg27[%swap3A_233] {strides = array<i32>} : memref<8192xi32, #tpu.memory_space<vmem>>, vector<16xi32>,
        %swap3A_235 = vector.shape_cast %swap3A_234 : vector<16xi32> to vector<16xi32>
        %swap3A_236 = vector.shape_cast %xor3A_229 : vector<16xi32> to vector<16xi32>
        tpu.vector_store %arg27[%swap3A_233], %swap3A_236 {strides = array<i32>} : memref<8192xi32, #tpu.memory_space<vmem>>, vector<16xi32>,
        %slice3A_237 = vector.extract_strided_slice %xor3A_228 {offsets = [15], sizes = [1], strides = [1]} : vector<16xi32> to vector<1xi32>
        %squeeze3A_238 = vector.extract %slice3A_237[0] : i32 from vector<1xi32>
        %broadcast_in_dim3A_239 = vector.broadcast %squeeze3A_238 : i32 to vector<16xi32>
        %slice3A_240 = vector.extract_strided_slice %xor3A_229 {offsets = [15], sizes = [1], strides = [1]} : vector<16xi32> to vector<1xi32>
        %squeeze3A_241 = vector.extract %slice3A_240[0] : i32 from vector<1xi32>
        %broadcast_in_dim3A_242 = vector.broadcast %squeeze3A_241 : i32 to vector<16xi32>
        scf.yield %broadcast_in_dim3A_239, %broadcast_in_dim3A_242 : vector<16xi32>, vector<16xi32>
      }
      %scan3A_60 = arith.constant 512 : i32
      %mul3A_61 = arith.constant 8192 : i32
      %mul3A_62 = arith.muli %while3A_43, %mul3A_61 : i32
      %add3A_63 = arith.addi %mul3A_26, %mul3A_62 : i32
      %multiple_of3A_64 = tpu.assume_multiple %add3A_63, 128 : i32
      "tpu.region"() ({
        %run_scoped3A = tpu.sem_alloc : memref<!tpu.dma_semaphore, #tpu.memory_space<semaphore_mem>>
        %dma_start3A_65 = tpu.memref_slice %arg14[%multiple_of3A_64] : memref<95158272xi32, #tpu.memory_space<hbm>> -> memref<8192xi32, #tpu.memory_space<hbm>>
        %dma_start3A_66 = tpu.memref_slice %arg14[%multiple_of3A_64] : memref<95158272xi32, #tpu.memory_space<hbm>> -> memref<8192xi32, #tpu.memory_space<hbm>>
        tpu.enqueue_dma source(%arg26 : memref<8192xi32, #tpu.memory_space<vmem>>) target(%dma_start3A_66 : memref<8192xi32, #tpu.memory_space<hbm>>) target_semaphore(%run_scoped3A : memref<!tpu.dma_semaphore, #tpu.memory_space<semaphore_mem>>)
        %dma_wait3A_67 = tpu.memref_slice %arg14[%multiple_of3A_64] : memref<95158272xi32, #tpu.memory_space<hbm>> -> memref<8192xi32, #tpu.memory_space<hbm>>
        %dma_wait3A_68 = tpu.memref_slice %arg14[%multiple_of3A_64] : memref<95158272xi32, #tpu.memory_space<hbm>> -> memref<8192xi32, #tpu.memory_space<hbm>>
        tpu.wait_dma2 semaphore(%run_scoped3A : memref<!tpu.dma_semaphore, #tpu.memory_space<semaphore_mem>>) src(%arg26 : memref<8192xi32, #tpu.memory_space<vmem>>) dst(%dma_wait3A_68 : memref<8192xi32, #tpu.memory_space<hbm>>)
        tpu.yield
      }) : () -> ()
      "tpu.region"() ({
        %run_scoped3A = tpu.sem_alloc : memref<!tpu.dma_semaphore, #tpu.memory_space<semaphore_mem>>
        %dma_start3A_65 = tpu.memref_slice %arg15[%multiple_of3A_64] : memref<95158272xi32, #tpu.memory_space<hbm>> -> memref<8192xi32, #tpu.memory_space<hbm>>
        %dma_start3A_66 = tpu.memref_slice %arg15[%multiple_of3A_64] : memref<95158272xi32, #tpu.memory_space<hbm>> -> memref<8192xi32, #tpu.memory_space<hbm>>
        tpu.enqueue_dma source(%arg27 : memref<8192xi32, #tpu.memory_space<vmem>>) target(%dma_start3A_66 : memref<8192xi32, #tpu.memory_space<hbm>>) target_semaphore(%run_scoped3A : memref<!tpu.dma_semaphore, #tpu.memory_space<semaphore_mem>>)
        %dma_wait3A_67 = tpu.memref_slice %arg15[%multiple_of3A_64] : memref<95158272xi32, #tpu.memory_space<hbm>> -> memref<8192xi32, #tpu.memory_space<hbm>>
        %dma_wait3A_68 = tpu.memref_slice %arg15[%multiple_of3A_64] : memref<95158272xi32, #tpu.memory_space<hbm>> -> memref<8192xi32, #tpu.memory_space<hbm>>
        tpu.wait_dma2 semaphore(%run_scoped3A : memref<!tpu.dma_semaphore, #tpu.memory_space<semaphore_mem>>) src(%arg27 : memref<8192xi32, #tpu.memory_space<vmem>>) dst(%dma_wait3A_68 : memref<8192xi32, #tpu.memory_space<hbm>>)
        tpu.yield
      }) : () -> ()
      scf.yield %scan3A_59#0, %scan3A_59#1 : vector<16xi32>, vector<16xi32>
    }
    %while3A_35 = arith.constant 1 : i32
    %while3A_36:2 = scf.for %while3A_43 = %while3A_32 to %while3A_28 step %while3A_35 iter_args(%while3A_44 = %while3A_34#0, %while3A_45 = %while3A_34#1) -> (vector<16xi32>, vector<16xi32>)  : i32 {
      %mul3A_46 = arith.constant 8192 : i32
      %mul3A_47 = arith.muli %while3A_43, %mul3A_46 : i32
      %add3A_48 = arith.addi %and3A_21, %mul3A_47 : i32
      %multiple_of3A = tpu.assume_multiple %add3A_48, 128 : i32
      "tpu.region"() ({
        %run_scoped3A = tpu.sem_alloc : memref<!tpu.dma_semaphore, #tpu.memory_space<semaphore_mem>>
        %dma_start3A_65 = tpu.memref_slice %arg3[%multiple_of3A] : memref<2965504xi32, #tpu.memory_space<hbm>> -> memref<8192xi32, #tpu.memory_space<hbm>>
        %dma_start3A_66 = tpu.memref_slice %arg3[%multiple_of3A] : memref<2965504xi32, #tpu.memory_space<hbm>> -> memref<8192xi32, #tpu.memory_space<hbm>>
        tpu.enqueue_dma source(%dma_start3A_66 : memref<8192xi32, #tpu.memory_space<hbm>>) target(%arg25 : memref<8192xi32, #tpu.memory_space<vmem>>) target_semaphore(%run_scoped3A : memref<!tpu.dma_semaphore, #tpu.memory_space<semaphore_mem>>)
        %dma_wait3A_67 = tpu.memref_slice %arg3[%multiple_of3A] : memref<2965504xi32, #tpu.memory_space<hbm>> -> memref<8192xi32, #tpu.memory_space<hbm>>
        %dma_wait3A_68 = tpu.memref_slice %arg3[%multiple_of3A] : memref<2965504xi32, #tpu.memory_space<hbm>> -> memref<8192xi32, #tpu.memory_space<hbm>>
        tpu.wait_dma2 semaphore(%run_scoped3A : memref<!tpu.dma_semaphore, #tpu.memory_space<semaphore_mem>>) src(%dma_wait3A_68 : memref<8192xi32, #tpu.memory_space<hbm>>) dst(%arg25 : memref<8192xi32, #tpu.memory_space<vmem>>)
        tpu.yield
      }) : () -> ()
      %dma_start3A = arith.constant 0 : i32
      %dma_start3A_49 = tpu.memref_slice %arg32[%dma_start3A] : memref<368xi32, #tpu.memory_space<vmem_shared>> -> memref<368xi32, #tpu.memory_space<vmem_shared>>
      tpu.enqueue_indirect_dma source(%dma_start3A_49 : memref<368xi32, #tpu.memory_space<vmem_shared>>) target(%arg26 : memref<8192xi32, #tpu.memory_space<vmem>>) offsets(%arg25 : memref<8192xi32, #tpu.memory_space<vmem>>) semaphore(%arg35 : memref<!tpu.dma_semaphore, #tpu.memory_space<semaphore_mem>>)
      %dma_start3A_50 = arith.constant 0 : i32
      %dma_start3A_51 = tpu.memref_slice %arg33[%dma_start3A_50] : memref<368xi32, #tpu.memory_space<vmem_shared>> -> memref<368xi32, #tpu.memory_space<vmem_shared>>
      tpu.enqueue_indirect_dma source(%dma_start3A_51 : memref<368xi32, #tpu.memory_space<vmem_shared>>) target(%arg27 : memref<8192xi32, #tpu.memory_space<vmem>>) offsets(%arg25 : memref<8192xi32, #tpu.memory_space<vmem>>) semaphore(%arg35 : memref<!tpu.dma_semaphore, #tpu.memory_space<semaphore_mem>>)
      %dma_wait3A = arith.constant 0 : i32
      %dma_wait3A_52 = tpu.memref_slice %arg32[%dma_wait3A] : memref<368xi32, #tpu.memory_space<vmem_shared>> -> memref<368xi32, #tpu.memory_space<vmem_shared>>
      tpu.wait_indirect_dma semaphore(%arg35 : memref<!tpu.dma_semaphore, #tpu.memory_space<semaphore_mem>>) src(%dma_wait3A_52 : memref<368xi32, #tpu.memory_space<vmem_shared>>) dst(%arg26 : memref<8192xi32, #tpu.memory_space<vmem>>)
      %dma_wait3A_53 = arith.constant 0 : i32
      %dma_wait3A_54 = tpu.memref_slice %arg33[%dma_wait3A_53] : memref<368xi32, #tpu.memory_space<vmem_shared>> -> memref<368xi32, #tpu.memory_space<vmem_shared>>
      tpu.wait_indirect_dma semaphore(%arg35 : memref<!tpu.dma_semaphore, #tpu.memory_space<semaphore_mem>>) src(%dma_wait3A_54 : memref<368xi32, #tpu.memory_space<vmem_shared>>) dst(%arg27 : memref<8192xi32, #tpu.memory_space<vmem>>)
      %scan3A_55 = arith.constant 0 : i32
      %scan3A_56 = arith.constant 512 : i32
      %scan3A_57 = arith.addi %scan3A_55, %scan3A_56 : i32
      %scan3A_58 = arith.constant 1 : i32
      %scan3A_59:2 = scf.for %scan3A_65 = %scan3A_55 to %scan3A_57 step %scan3A_58 iter_args(%scan3A_66 = %while3A_44, %scan3A_67 = %while3A_45) -> (vector<16xi32>, vector<16xi32>)  : i32 {
        %mul3A_68 = arith.constant 16 : i32
        %mul3A_69 = arith.muli %scan3A_65, %mul3A_68 : i32
        %add3A_70 = arith.addi %multiple_of3A, %mul3A_69 : i32
        %add3A_71 = vector.broadcast %add3A_70 : i32 to vector<16xi32>
        %add3A_72 = arith.addi %add3A_71, %iota3A : vector<16xi32>
        %ge3A = vector.broadcast %squeeze3A : i32 to vector<16xi32>
        %ge3A_73 = arith.cmpi sge, %add3A_72, %ge3A : vector<16xi32>
        %get3A_74 = arith.index_cast %mul3A_69 : i32 to index
        %get3A_75 = tpu.vector_load %arg26[%get3A_74] {strides = array<i32>} : memref<8192xi32, #tpu.memory_space<vmem>>, vector<16xi32>,
        %get3A_76 = vector.shape_cast %get3A_75 : vector<16xi32> to vector<16xi32>
        %jit3A = arith.constant 0 : i32
        %broadcast_in_dim3A_77 = vector.broadcast %jit3A : i32 to vector<16xi32>
        %select_n3A = arith.select %ge3A_73, %get3A_76, %broadcast_in_dim3A_77 : vector<16xi1>, vector<16xi32>
        %get3A_78 = arith.index_cast %mul3A_69 : i32 to index
        %get3A_79 = tpu.vector_load %arg27[%get3A_78] {strides = array<i32>} : memref<8192xi32, #tpu.memory_space<vmem>>, vector<16xi32>,
        %get3A_80 = vector.shape_cast %get3A_79 : vector<16xi32> to vector<16xi32>
        %jit3A_81 = arith.constant 0 : i32
        %broadcast_in_dim3A_82 = vector.broadcast %jit3A_81 : i32 to vector<16xi32>
        %select_n3A_83 = arith.select %ge3A_73, %get3A_80, %broadcast_in_dim3A_82 : vector<16xi1>, vector<16xi32>
        %sub3A_84 = arith.constant 1 : i32
        %sub3A_85 = vector.broadcast %sub3A_84 : i32 to vector<16xi32>
        %sub3A_86 = arith.subi %iota3A, %sub3A_85 : vector<16xi32>
        %max3A = arith.constant 0 : i32
        %max3A_87 = vector.broadcast %max3A : i32 to vector<16xi32>
        %max3A_88 = arith.maxsi %sub3A_86, %max3A_87 : vector<16xi32>
        %ge3A_89 = arith.constant 1 : i32
        %ge3A_90 = vector.broadcast %ge3A_89 : i32 to vector<16xi32>
        %ge3A_91 = arith.cmpi sge, %iota3A, %ge3A_90 : vector<16xi32>
        %lt3A = arith.constant 0 : i32
        %lt3A_92 = vector.broadcast %lt3A : i32 to vector<16xi32>
        %lt3A_93 = arith.cmpi slt, %max3A_88, %lt3A_92 : vector<16xi32>
        %add3A_94 = arith.constant 16 : i32
        %add3A_95 = vector.broadcast %add3A_94 : i32 to vector<16xi32>
        %add3A_96 = arith.addi %max3A_88, %add3A_95 : vector<16xi32>
        %select_n3A_97 = arith.select %lt3A_93, %add3A_96, %max3A_88 : vector<16xi1>, vector<16xi32>
        %broadcast_in_dim3A_98 = vector.shape_cast %select_n3A_97 : vector<16xi32> to vector<16x1xi32>
        %gather3A = vector.shape_cast %broadcast_in_dim3A_98 : vector<16x1xi32> to vector<16xi32>
        %gather3A_99 = tpu.dynamic_gather %select_n3A[%gather3A] in [0] : vector<16xi32>, vector<16xi32> -> vector<16xi32>
        %jit3A_100 = arith.constant 0 : i32
        %broadcast_in_dim3A_101 = vector.broadcast %jit3A_100 : i32 to vector<16xi32>
        %select_n3A_102 = arith.select %ge3A_91, %gather3A_99, %broadcast_in_dim3A_101 : vector<16xi1>, vector<16xi32>
        %xor3A = arith.xori %select_n3A, %select_n3A_102 : vector<16xi32>
        %lt3A_103 = arith.constant 0 : i32
        %lt3A_104 = vector.broadcast %lt3A_103 : i32 to vector<16xi32>
        %lt3A_105 = arith.cmpi slt, %max3A_88, %lt3A_104 : vector<16xi32>
        %add3A_106 = arith.constant 16 : i32
        %add3A_107 = vector.broadcast %add3A_106 : i32 to vector<16xi32>
        %add3A_108 = arith.addi %max3A_88, %add3A_107 : vector<16xi32>
        %select_n3A_109 = arith.select %lt3A_105, %add3A_108, %max3A_88 : vector<16xi1>, vector<16xi32>
        %broadcast_in_dim3A_110 = vector.shape_cast %select_n3A_109 : vector<16xi32> to vector<16x1xi32>
        %gather3A_111 = vector.shape_cast %broadcast_in_dim3A_110 : vector<16x1xi32> to vector<16xi32>
        %gather3A_112 = tpu.dynamic_gather %select_n3A_83[%gather3A_111] in [0] : vector<16xi32>, vector<16xi32> -> vector<16xi32>
        %jit3A_113 = arith.constant 0 : i32
        %broadcast_in_dim3A_114 = vector.broadcast %jit3A_113 : i32 to vector<16xi32>
        %select_n3A_115 = arith.select %ge3A_91, %gather3A_112, %broadcast_in_dim3A_114 : vector<16xi1>, vector<16xi32>
        %xor3A_116 = arith.xori %select_n3A_83, %select_n3A_115 : vector<16xi32>
        %sub3A_117 = arith.constant 2 : i32
        %sub3A_118 = vector.broadcast %sub3A_117 : i32 to vector<16xi32>
        %sub3A_119 = arith.subi %iota3A, %sub3A_118 : vector<16xi32>
        %max3A_120 = arith.constant 0 : i32
        %max3A_121 = vector.broadcast %max3A_120 : i32 to vector<16xi32>
        %max3A_122 = arith.maxsi %sub3A_119, %max3A_121 : vector<16xi32>
        %ge3A_123 = arith.constant 2 : i32
        %ge3A_124 = vector.broadcast %ge3A_123 : i32 to vector<16xi32>
        %ge3A_125 = arith.cmpi sge, %iota3A, %ge3A_124 : vector<16xi32>
        %lt3A_126 = arith.constant 0 : i32
        %lt3A_127 = vector.broadcast %lt3A_126 : i32 to vector<16xi32>
        %lt3A_128 = arith.cmpi slt, %max3A_122, %lt3A_127 : vector<16xi32>
        %add3A_129 = arith.constant 16 : i32
        %add3A_130 = vector.broadcast %add3A_129 : i32 to vector<16xi32>
        %add3A_131 = arith.addi %max3A_122, %add3A_130 : vector<16xi32>
        %select_n3A_132 = arith.select %lt3A_128, %add3A_131, %max3A_122 : vector<16xi1>, vector<16xi32>
        %broadcast_in_dim3A_133 = vector.shape_cast %select_n3A_132 : vector<16xi32> to vector<16x1xi32>
        %gather3A_134 = vector.shape_cast %broadcast_in_dim3A_133 : vector<16x1xi32> to vector<16xi32>
        %gather3A_135 = tpu.dynamic_gather %xor3A[%gather3A_134] in [0] : vector<16xi32>, vector<16xi32> -> vector<16xi32>
        %jit3A_136 = arith.constant 0 : i32
        %broadcast_in_dim3A_137 = vector.broadcast %jit3A_136 : i32 to vector<16xi32>
        %select_n3A_138 = arith.select %ge3A_125, %gather3A_135, %broadcast_in_dim3A_137 : vector<16xi1>, vector<16xi32>
        %xor3A_139 = arith.xori %xor3A, %select_n3A_138 : vector<16xi32>
        %lt3A_140 = arith.constant 0 : i32
        %lt3A_141 = vector.broadcast %lt3A_140 : i32 to vector<16xi32>
        %lt3A_142 = arith.cmpi slt, %max3A_122, %lt3A_141 : vector<16xi32>
        %add3A_143 = arith.constant 16 : i32
        %add3A_144 = vector.broadcast %add3A_143 : i32 to vector<16xi32>
        %add3A_145 = arith.addi %max3A_122, %add3A_144 : vector<16xi32>
        %select_n3A_146 = arith.select %lt3A_142, %add3A_145, %max3A_122 : vector<16xi1>, vector<16xi32>
        %broadcast_in_dim3A_147 = vector.shape_cast %select_n3A_146 : vector<16xi32> to vector<16x1xi32>
        %gather3A_148 = vector.shape_cast %broadcast_in_dim3A_147 : vector<16x1xi32> to vector<16xi32>
        %gather3A_149 = tpu.dynamic_gather %xor3A_116[%gather3A_148] in [0] : vector<16xi32>, vector<16xi32> -> vector<16xi32>
        %jit3A_150 = arith.constant 0 : i32
        %broadcast_in_dim3A_151 = vector.broadcast %jit3A_150 : i32 to vector<16xi32>
        %select_n3A_152 = arith.select %ge3A_125, %gather3A_149, %broadcast_in_dim3A_151 : vector<16xi1>, vector<16xi32>
        %xor3A_153 = arith.xori %xor3A_116, %select_n3A_152 : vector<16xi32>
        %sub3A_154 = arith.constant 4 : i32
        %sub3A_155 = vector.broadcast %sub3A_154 : i32 to vector<16xi32>
        %sub3A_156 = arith.subi %iota3A, %sub3A_155 : vector<16xi32>
        %max3A_157 = arith.constant 0 : i32
        %max3A_158 = vector.broadcast %max3A_157 : i32 to vector<16xi32>
        %max3A_159 = arith.maxsi %sub3A_156, %max3A_158 : vector<16xi32>
        %ge3A_160 = arith.constant 4 : i32
        %ge3A_161 = vector.broadcast %ge3A_160 : i32 to vector<16xi32>
        %ge3A_162 = arith.cmpi sge, %iota3A, %ge3A_161 : vector<16xi32>
        %lt3A_163 = arith.constant 0 : i32
        %lt3A_164 = vector.broadcast %lt3A_163 : i32 to vector<16xi32>
        %lt3A_165 = arith.cmpi slt, %max3A_159, %lt3A_164 : vector<16xi32>
        %add3A_166 = arith.constant 16 : i32
        %add3A_167 = vector.broadcast %add3A_166 : i32 to vector<16xi32>
        %add3A_168 = arith.addi %max3A_159, %add3A_167 : vector<16xi32>
        %select_n3A_169 = arith.select %lt3A_165, %add3A_168, %max3A_159 : vector<16xi1>, vector<16xi32>
        %broadcast_in_dim3A_170 = vector.shape_cast %select_n3A_169 : vector<16xi32> to vector<16x1xi32>
        %gather3A_171 = vector.shape_cast %broadcast_in_dim3A_170 : vector<16x1xi32> to vector<16xi32>
        %gather3A_172 = tpu.dynamic_gather %xor3A_139[%gather3A_171] in [0] : vector<16xi32>, vector<16xi32> -> vector<16xi32>
        %jit3A_173 = arith.constant 0 : i32
        %broadcast_in_dim3A_174 = vector.broadcast %jit3A_173 : i32 to vector<16xi32>
        %select_n3A_175 = arith.select %ge3A_162, %gather3A_172, %broadcast_in_dim3A_174 : vector<16xi1>, vector<16xi32>
        %xor3A_176 = arith.xori %xor3A_139, %select_n3A_175 : vector<16xi32>
        %lt3A_177 = arith.constant 0 : i32
        %lt3A_178 = vector.broadcast %lt3A_177 : i32 to vector<16xi32>
        %lt3A_179 = arith.cmpi slt, %max3A_159, %lt3A_178 : vector<16xi32>
        %add3A_180 = arith.constant 16 : i32
        %add3A_181 = vector.broadcast %add3A_180 : i32 to vector<16xi32>
        %add3A_182 = arith.addi %max3A_159, %add3A_181 : vector<16xi32>
        %select_n3A_183 = arith.select %lt3A_179, %add3A_182, %max3A_159 : vector<16xi1>, vector<16xi32>
        %broadcast_in_dim3A_184 = vector.shape_cast %select_n3A_183 : vector<16xi32> to vector<16x1xi32>
        %gather3A_185 = vector.shape_cast %broadcast_in_dim3A_184 : vector<16x1xi32> to vector<16xi32>
        %gather3A_186 = tpu.dynamic_gather %xor3A_153[%gather3A_185] in [0] : vector<16xi32>, vector<16xi32> -> vector<16xi32>
        %jit3A_187 = arith.constant 0 : i32
        %broadcast_in_dim3A_188 = vector.broadcast %jit3A_187 : i32 to vector<16xi32>
        %select_n3A_189 = arith.select %ge3A_162, %gather3A_186, %broadcast_in_dim3A_188 : vector<16xi1>, vector<16xi32>
        %xor3A_190 = arith.xori %xor3A_153, %select_n3A_189 : vector<16xi32>
        %sub3A_191 = arith.constant 8 : i32
        %sub3A_192 = vector.broadcast %sub3A_191 : i32 to vector<16xi32>
        %sub3A_193 = arith.subi %iota3A, %sub3A_192 : vector<16xi32>
        %max3A_194 = arith.constant 0 : i32
        %max3A_195 = vector.broadcast %max3A_194 : i32 to vector<16xi32>
        %max3A_196 = arith.maxsi %sub3A_193, %max3A_195 : vector<16xi32>
        %ge3A_197 = arith.constant 8 : i32
        %ge3A_198 = vector.broadcast %ge3A_197 : i32 to vector<16xi32>
        %ge3A_199 = arith.cmpi sge, %iota3A, %ge3A_198 : vector<16xi32>
        %lt3A_200 = arith.constant 0 : i32
        %lt3A_201 = vector.broadcast %lt3A_200 : i32 to vector<16xi32>
        %lt3A_202 = arith.cmpi slt, %max3A_196, %lt3A_201 : vector<16xi32>
        %add3A_203 = arith.constant 16 : i32
        %add3A_204 = vector.broadcast %add3A_203 : i32 to vector<16xi32>
        %add3A_205 = arith.addi %max3A_196, %add3A_204 : vector<16xi32>
        %select_n3A_206 = arith.select %lt3A_202, %add3A_205, %max3A_196 : vector<16xi1>, vector<16xi32>
        %broadcast_in_dim3A_207 = vector.shape_cast %select_n3A_206 : vector<16xi32> to vector<16x1xi32>
        %gather3A_208 = vector.shape_cast %broadcast_in_dim3A_207 : vector<16x1xi32> to vector<16xi32>
        %gather3A_209 = tpu.dynamic_gather %xor3A_176[%gather3A_208] in [0] : vector<16xi32>, vector<16xi32> -> vector<16xi32>
        %jit3A_210 = arith.constant 0 : i32
        %broadcast_in_dim3A_211 = vector.broadcast %jit3A_210 : i32 to vector<16xi32>
        %select_n3A_212 = arith.select %ge3A_199, %gather3A_209, %broadcast_in_dim3A_211 : vector<16xi1>, vector<16xi32>
        %xor3A_213 = arith.xori %xor3A_176, %select_n3A_212 : vector<16xi32>
        %lt3A_214 = arith.constant 0 : i32
        %lt3A_215 = vector.broadcast %lt3A_214 : i32 to vector<16xi32>
        %lt3A_216 = arith.cmpi slt, %max3A_196, %lt3A_215 : vector<16xi32>
        %add3A_217 = arith.constant 16 : i32
        %add3A_218 = vector.broadcast %add3A_217 : i32 to vector<16xi32>
        %add3A_219 = arith.addi %max3A_196, %add3A_218 : vector<16xi32>
        %select_n3A_220 = arith.select %lt3A_216, %add3A_219, %max3A_196 : vector<16xi1>, vector<16xi32>
        %broadcast_in_dim3A_221 = vector.shape_cast %select_n3A_220 : vector<16xi32> to vector<16x1xi32>
        %gather3A_222 = vector.shape_cast %broadcast_in_dim3A_221 : vector<16x1xi32> to vector<16xi32>
        %gather3A_223 = tpu.dynamic_gather %xor3A_190[%gather3A_222] in [0] : vector<16xi32>, vector<16xi32> -> vector<16xi32>
        %jit3A_224 = arith.constant 0 : i32
        %broadcast_in_dim3A_225 = vector.broadcast %jit3A_224 : i32 to vector<16xi32>
        %select_n3A_226 = arith.select %ge3A_199, %gather3A_223, %broadcast_in_dim3A_225 : vector<16xi1>, vector<16xi32>
        %xor3A_227 = arith.xori %xor3A_190, %select_n3A_226 : vector<16xi32>
        %xor3A_228 = arith.xori %xor3A_213, %scan3A_66 : vector<16xi32>
        %xor3A_229 = arith.xori %xor3A_227, %scan3A_67 : vector<16xi32>
        %swap3A = arith.index_cast %mul3A_69 : i32 to index
        %swap3A_230 = tpu.vector_load %arg26[%swap3A] {strides = array<i32>} : memref<8192xi32, #tpu.memory_space<vmem>>, vector<16xi32>,
        %swap3A_231 = vector.shape_cast %swap3A_230 : vector<16xi32> to vector<16xi32>
        %swap3A_232 = vector.shape_cast %xor3A_228 : vector<16xi32> to vector<16xi32>
        tpu.vector_store %arg26[%swap3A], %swap3A_232 {strides = array<i32>} : memref<8192xi32, #tpu.memory_space<vmem>>, vector<16xi32>,
        %swap3A_233 = arith.index_cast %mul3A_69 : i32 to index
        %swap3A_234 = tpu.vector_load %arg27[%swap3A_233] {strides = array<i32>} : memref<8192xi32, #tpu.memory_space<vmem>>, vector<16xi32>,
        %swap3A_235 = vector.shape_cast %swap3A_234 : vector<16xi32> to vector<16xi32>
        %swap3A_236 = vector.shape_cast %xor3A_229 : vector<16xi32> to vector<16xi32>
        tpu.vector_store %arg27[%swap3A_233], %swap3A_236 {strides = array<i32>} : memref<8192xi32, #tpu.memory_space<vmem>>, vector<16xi32>,
        %slice3A_237 = vector.extract_strided_slice %xor3A_228 {offsets = [15], sizes = [1], strides = [1]} : vector<16xi32> to vector<1xi32>
        %squeeze3A_238 = vector.extract %slice3A_237[0] : i32 from vector<1xi32>
        %broadcast_in_dim3A_239 = vector.broadcast %squeeze3A_238 : i32 to vector<16xi32>
        %slice3A_240 = vector.extract_strided_slice %xor3A_229 {offsets = [15], sizes = [1], strides = [1]} : vector<16xi32> to vector<1xi32>
        %squeeze3A_241 = vector.extract %slice3A_240[0] : i32 from vector<1xi32>
        %broadcast_in_dim3A_242 = vector.broadcast %squeeze3A_241 : i32 to vector<16xi32>
        scf.yield %broadcast_in_dim3A_239, %broadcast_in_dim3A_242 : vector<16xi32>, vector<16xi32>
      }
      %scan3A_60 = arith.constant 512 : i32
      %mul3A_61 = arith.constant 8192 : i32
      %mul3A_62 = arith.muli %while3A_43, %mul3A_61 : i32
      %add3A_63 = arith.addi %mul3A_26, %mul3A_62 : i32
      %multiple_of3A_64 = tpu.assume_multiple %add3A_63, 128 : i32
      "tpu.region"() ({
        %run_scoped3A = tpu.sem_alloc : memref<!tpu.dma_semaphore, #tpu.memory_space<semaphore_mem>>
        %dma_start3A_65 = tpu.memref_slice %arg14[%multiple_of3A_64] : memref<95158272xi32, #tpu.memory_space<hbm>> -> memref<8192xi32, #tpu.memory_space<hbm>>
        %dma_start3A_66 = tpu.memref_slice %arg14[%multiple_of3A_64] : memref<95158272xi32, #tpu.memory_space<hbm>> -> memref<8192xi32, #tpu.memory_space<hbm>>
        tpu.enqueue_dma source(%arg26 : memref<8192xi32, #tpu.memory_space<vmem>>) target(%dma_start3A_66 : memref<8192xi32, #tpu.memory_space<hbm>>) target_semaphore(%run_scoped3A : memref<!tpu.dma_semaphore, #tpu.memory_space<semaphore_mem>>)
        %dma_wait3A_67 = tpu.memref_slice %arg14[%multiple_of3A_64] : memref<95158272xi32, #tpu.memory_space<hbm>> -> memref<8192xi32, #tpu.memory_space<hbm>>
        %dma_wait3A_68 = tpu.memref_slice %arg14[%multiple_of3A_64] : memref<95158272xi32, #tpu.memory_space<hbm>> -> memref<8192xi32, #tpu.memory_space<hbm>>
        tpu.wait_dma2 semaphore(%run_scoped3A : memref<!tpu.dma_semaphore, #tpu.memory_space<semaphore_mem>>) src(%arg26 : memref<8192xi32, #tpu.memory_space<vmem>>) dst(%dma_wait3A_68 : memref<8192xi32, #tpu.memory_space<hbm>>)
        tpu.yield
      }) : () -> ()
      "tpu.region"() ({
        %run_scoped3A = tpu.sem_alloc : memref<!tpu.dma_semaphore, #tpu.memory_space<semaphore_mem>>
        %dma_start3A_65 = tpu.memref_slice %arg15[%multiple_of3A_64] : memref<95158272xi32, #tpu.memory_space<hbm>> -> memref<8192xi32, #tpu.memory_space<hbm>>
        %dma_start3A_66 = tpu.memref_slice %arg15[%multiple_of3A_64] : memref<95158272xi32, #tpu.memory_space<hbm>> -> memref<8192xi32, #tpu.memory_space<hbm>>
        tpu.enqueue_dma source(%arg27 : memref<8192xi32, #tpu.memory_space<vmem>>) target(%dma_start3A_66 : memref<8192xi32, #tpu.memory_space<hbm>>) target_semaphore(%run_scoped3A : memref<!tpu.dma_semaphore, #tpu.memory_space<semaphore_mem>>)
        %dma_wait3A_67 = tpu.memref_slice %arg15[%multiple_of3A_64] : memref<95158272xi32, #tpu.memory_space<hbm>> -> memref<8192xi32, #tpu.memory_space<hbm>>
        %dma_wait3A_68 = tpu.memref_slice %arg15[%multiple_of3A_64] : memref<95158272xi32, #tpu.memory_space<hbm>> -> memref<8192xi32, #tpu.memory_space<hbm>>
        tpu.wait_dma2 semaphore(%run_scoped3A : memref<!tpu.dma_semaphore, #tpu.memory_space<semaphore_mem>>) src(%arg27 : memref<8192xi32, #tpu.memory_space<vmem>>) dst(%dma_wait3A_68 : memref<8192xi32, #tpu.memory_space<hbm>>)
        tpu.yield
      }) : () -> ()
      scf.yield %scan3A_59#0, %scan3A_59#1 : vector<16xi32>, vector<16xi32>
    }
    %scan3A = arith.constant 0 : i32
    %scan3A_37 = arith.constant 0 : i32
    %scan3A_38 = arith.constant 8 : i32
    %scan3A_39 = arith.addi %scan3A_37, %scan3A_38 : i32
    %scan3A_40 = arith.constant 1 : i32
    %scan3A_41 = scf.for %scan3A_43 = %scan3A_37 to %scan3A_39 step %scan3A_40 iter_args(%scan3A_44 = %scan3A) -> (i32)  : i32 {
      %mul3A_45 = arith.constant 5776 : i32
      %mul3A_46 = arith.muli %scan3A_43, %mul3A_45 : i32
      %add3A_47 = arith.addi %mul3A_2, %mul3A_46 : i32
      %multiple_of3A = tpu.assume_multiple %add3A_47, 16 : i32
      %mul3A_48 = arith.constant 16 : i32
      %mul3A_49 = arith.muli %scan3A_43, %mul3A_48 : i32
      %add3A_50 = arith.addi %mul3A_4, %mul3A_49 : i32
      %mul3A_51 = arith.constant 128 : i32
      %mul3A_52 = arith.muli %arg1, %mul3A_51 : i32
      %mul3A_53 = arith.constant 16 : i32
      %mul3A_54 = arith.muli %scan3A_43, %mul3A_53 : i32
      %add3A_55 = arith.addi %mul3A_52, %mul3A_54 : i32
      "tpu.region"() ({
        %run_scoped3A = tpu.sem_alloc : memref<!tpu.dma_semaphore, #tpu.memory_space<semaphore_mem>>
        %dma_start3A_106 = tpu.memref_slice %arg2[%multiple_of3A] : memref<1478784xi32, #tpu.memory_space<hbm>> -> memref<5888xi32, #tpu.memory_space<hbm>>
        %dma_start3A_107 = tpu.memref_slice %arg2[%multiple_of3A] : memref<1478784xi32, #tpu.memory_space<hbm>> -> memref<5888xi32, #tpu.memory_space<hbm>>
        tpu.enqueue_dma source(%dma_start3A_107 : memref<5888xi32, #tpu.memory_space<hbm>>) target(%arg16 : memref<5888xi32, #tpu.memory_space<vmem>>) target_semaphore(%run_scoped3A : memref<!tpu.dma_semaphore, #tpu.memory_space<semaphore_mem>>)
        %dma_wait3A_108 = tpu.memref_slice %arg2[%multiple_of3A] : memref<1478784xi32, #tpu.memory_space<hbm>> -> memref<5888xi32, #tpu.memory_space<hbm>>
        %dma_wait3A_109 = tpu.memref_slice %arg2[%multiple_of3A] : memref<1478784xi32, #tpu.memory_space<hbm>> -> memref<5888xi32, #tpu.memory_space<hbm>>
        tpu.wait_dma2 semaphore(%run_scoped3A : memref<!tpu.dma_semaphore, #tpu.memory_space<semaphore_mem>>) src(%dma_wait3A_109 : memref<5888xi32, #tpu.memory_space<hbm>>) dst(%arg16 : memref<5888xi32, #tpu.memory_space<vmem>>)
        tpu.yield
      }) : () -> ()
      "tpu.region"() ({
        %run_scoped3A = tpu.sem_alloc : memref<!tpu.dma_semaphore, #tpu.memory_space<semaphore_mem>>
        %dma_start3A_106 = arith.constant 0 : i32
        %dma_start3A_107 = tpu.memref_slice %arg22[%dma_start3A_106] : memref<5888xi32, #tpu.memory_space<vmem>> -> memref<5776xi32, #tpu.memory_space<vmem>>
        %dma_start3A_108 = tpu.memref_slice %arg4[%multiple_of3A] : memref<1478656xi32, #tpu.memory_space<hbm>> -> memref<5776xi32, #tpu.memory_space<hbm>>
        %dma_start3A_109 = arith.constant 0 : i32
        %dma_start3A_110 = tpu.memref_slice %arg22[%dma_start3A_109] : memref<5888xi32, #tpu.memory_space<vmem>> -> memref<5776xi32, #tpu.memory_space<vmem>>
        %dma_start3A_111 = tpu.memref_slice %arg4[%multiple_of3A] : memref<1478656xi32, #tpu.memory_space<hbm>> -> memref<5776xi32, #tpu.memory_space<hbm>>
        tpu.enqueue_dma source(%dma_start3A_111 : memref<5776xi32, #tpu.memory_space<hbm>>) target(%dma_start3A_110 : memref<5776xi32, #tpu.memory_space<vmem>>) target_semaphore(%run_scoped3A : memref<!tpu.dma_semaphore, #tpu.memory_space<semaphore_mem>>)
        %dma_wait3A_112 = arith.constant 0 : i32
        %dma_wait3A_113 = tpu.memref_slice %arg22[%dma_wait3A_112] : memref<5888xi32, #tpu.memory_space<vmem>> -> memref<5776xi32, #tpu.memory_space<vmem>>
        %dma_wait3A_114 = tpu.memref_slice %arg4[%multiple_of3A] : memref<1478656xi32, #tpu.memory_space<hbm>> -> memref<5776xi32, #tpu.memory_space<hbm>>
        %dma_wait3A_115 = arith.constant 0 : i32
        %dma_wait3A_116 = tpu.memref_slice %arg22[%dma_wait3A_115] : memref<5888xi32, #tpu.memory_space<vmem>> -> memref<5776xi32, #tpu.memory_space<vmem>>
        %dma_wait3A_117 = tpu.memref_slice %arg4[%multiple_of3A] : memref<1478656xi32, #tpu.memory_space<hbm>> -> memref<5776xi32, #tpu.memory_space<hbm>>
        tpu.wait_dma2 semaphore(%run_scoped3A : memref<!tpu.dma_semaphore, #tpu.memory_space<semaphore_mem>>) src(%dma_wait3A_117 : memref<5776xi32, #tpu.memory_space<hbm>>) dst(%dma_wait3A_116 : memref<5776xi32, #tpu.memory_space<vmem>>)
        tpu.yield
      }) : () -> ()
      "tpu.region"() ({
        %run_scoped3A = tpu.sem_alloc : memref<!tpu.dma_semaphore, #tpu.memory_space<semaphore_mem>>
        %dma_start3A_106 = arith.constant 0 : i32
        %dma_start3A_107 = tpu.memref_slice %arg23[%dma_start3A_106] : memref<5888xi32, #tpu.memory_space<vmem>> -> memref<5776xi32, #tpu.memory_space<vmem>>
        %dma_start3A_108 = tpu.memref_slice %arg5[%multiple_of3A] : memref<1478656xi32, #tpu.memory_space<hbm>> -> memref<5776xi32, #tpu.memory_space<hbm>>
        %dma_start3A_109 = arith.constant 0 : i32
        %dma_start3A_110 = tpu.memref_slice %arg23[%dma_start3A_109] : memref<5888xi32, #tpu.memory_space<vmem>> -> memref<5776xi32, #tpu.memory_space<vmem>>
        %dma_start3A_111 = tpu.memref_slice %arg5[%multiple_of3A] : memref<1478656xi32, #tpu.memory_space<hbm>> -> memref<5776xi32, #tpu.memory_space<hbm>>
        tpu.enqueue_dma source(%dma_start3A_111 : memref<5776xi32, #tpu.memory_space<hbm>>) target(%dma_start3A_110 : memref<5776xi32, #tpu.memory_space<vmem>>) target_semaphore(%run_scoped3A : memref<!tpu.dma_semaphore, #tpu.memory_space<semaphore_mem>>)
        %dma_wait3A_112 = arith.constant 0 : i32
        %dma_wait3A_113 = tpu.memref_slice %arg23[%dma_wait3A_112] : memref<5888xi32, #tpu.memory_space<vmem>> -> memref<5776xi32, #tpu.memory_space<vmem>>
        %dma_wait3A_114 = tpu.memref_slice %arg5[%multiple_of3A] : memref<1478656xi32, #tpu.memory_space<hbm>> -> memref<5776xi32, #tpu.memory_space<hbm>>
        %dma_wait3A_115 = arith.constant 0 : i32
        %dma_wait3A_116 = tpu.memref_slice %arg23[%dma_wait3A_115] : memref<5888xi32, #tpu.memory_space<vmem>> -> memref<5776xi32, #tpu.memory_space<vmem>>
        %dma_wait3A_117 = tpu.memref_slice %arg5[%multiple_of3A] : memref<1478656xi32, #tpu.memory_space<hbm>> -> memref<5776xi32, #tpu.memory_space<hbm>>
        tpu.wait_dma2 semaphore(%run_scoped3A : memref<!tpu.dma_semaphore, #tpu.memory_space<semaphore_mem>>) src(%dma_wait3A_117 : memref<5776xi32, #tpu.memory_space<hbm>>) dst(%dma_wait3A_116 : memref<5776xi32, #tpu.memory_space<vmem>>)
        tpu.yield
      }) : () -> ()
      %mul3A_56 = arith.constant 16 : i32
      %mul3A_57 = arith.muli %add3A_50, %mul3A_56 : i32
      "tpu.region"() ({
        %run_scoped3A = tpu.sem_alloc : memref<!tpu.dma_semaphore, #tpu.memory_space<semaphore_mem>>
        %dma_start3A_106 = tpu.memref_slice %arg7[%mul3A_57] : memref<65536xi32, #tpu.memory_space<hbm>> -> memref<256xi32, #tpu.memory_space<hbm>>
        %dma_start3A_107 = tpu.memref_slice %arg7[%mul3A_57] : memref<65536xi32, #tpu.memory_space<hbm>> -> memref<256xi32, #tpu.memory_space<hbm>>
        tpu.enqueue_dma source(%dma_start3A_107 : memref<256xi32, #tpu.memory_space<hbm>>) target(%arg29 : memref<256xi32, #tpu.memory_space<vmem>>) target_semaphore(%run_scoped3A : memref<!tpu.dma_semaphore, #tpu.memory_space<semaphore_mem>>)
        %dma_wait3A_108 = tpu.memref_slice %arg7[%mul3A_57] : memref<65536xi32, #tpu.memory_space<hbm>> -> memref<256xi32, #tpu.memory_space<hbm>>
        %dma_wait3A_109 = tpu.memref_slice %arg7[%mul3A_57] : memref<65536xi32, #tpu.memory_space<hbm>> -> memref<256xi32, #tpu.memory_space<hbm>>
        tpu.wait_dma2 semaphore(%run_scoped3A : memref<!tpu.dma_semaphore, #tpu.memory_space<semaphore_mem>>) src(%dma_wait3A_109 : memref<256xi32, #tpu.memory_space<hbm>>) dst(%arg29 : memref<256xi32, #tpu.memory_space<vmem>>)
        tpu.yield
      }) : () -> ()
      %mul3A_58 = arith.constant 16 : i32
      %mul3A_59 = arith.muli %add3A_50, %mul3A_58 : i32
      "tpu.region"() ({
        %run_scoped3A = tpu.sem_alloc : memref<!tpu.dma_semaphore, #tpu.memory_space<semaphore_mem>>
        %dma_start3A_106 = tpu.memref_slice %arg8[%mul3A_59] : memref<65536xi32, #tpu.memory_space<hbm>> -> memref<256xi32, #tpu.memory_space<hbm>>
        %dma_start3A_107 = tpu.memref_slice %arg8[%mul3A_59] : memref<65536xi32, #tpu.memory_space<hbm>> -> memref<256xi32, #tpu.memory_space<hbm>>
        tpu.enqueue_dma source(%dma_start3A_107 : memref<256xi32, #tpu.memory_space<hbm>>) target(%arg30 : memref<256xi32, #tpu.memory_space<vmem>>) target_semaphore(%run_scoped3A : memref<!tpu.dma_semaphore, #tpu.memory_space<semaphore_mem>>)
        %dma_wait3A_108 = tpu.memref_slice %arg8[%mul3A_59] : memref<65536xi32, #tpu.memory_space<hbm>> -> memref<256xi32, #tpu.memory_space<hbm>>
        %dma_wait3A_109 = tpu.memref_slice %arg8[%mul3A_59] : memref<65536xi32, #tpu.memory_space<hbm>> -> memref<256xi32, #tpu.memory_space<hbm>>
        tpu.wait_dma2 semaphore(%run_scoped3A : memref<!tpu.dma_semaphore, #tpu.memory_space<semaphore_mem>>) src(%dma_wait3A_109 : memref<256xi32, #tpu.memory_space<hbm>>) dst(%arg30 : memref<256xi32, #tpu.memory_space<vmem>>)
        tpu.yield
      }) : () -> ()
      %scan3A_60 = arith.constant 0 : i32
      %scan3A_61 = arith.constant 0 : i32
      %scan3A_62 = arith.constant 368 : i32
      %scan3A_63 = arith.addi %scan3A_61, %scan3A_62 : i32
      %scan3A_64 = arith.constant 1 : i32
      %scan3A_65 = scf.for %scan3A_106 = %scan3A_61 to %scan3A_63 step %scan3A_64 iter_args(%scan3A_107 = %scan3A_60) -> (i32)  : i32 {
        %mul3A_108 = arith.constant 16 : i32
        %mul3A_109 = arith.muli %scan3A_106, %mul3A_108 : i32
        %get3A_110 = arith.index_cast %mul3A_109 : i32 to index
        %get3A_111 = tpu.vector_load %arg16[%get3A_110] {strides = array<i32>} : memref<5888xi32, #tpu.memory_space<vmem>>, vector<16xi32>,
        %get3A_112 = vector.shape_cast %get3A_111 : vector<16xi32> to vector<16xi32>
        %sub3A_113 = arith.constant 1 : i32
        %sub3A_114 = vector.broadcast %sub3A_113 : i32 to vector<16xi32>
        %sub3A_115 = arith.subi %get3A_112, %sub3A_114 : vector<16xi32>
        %sub3A_116 = vector.broadcast %and3A_21 : i32 to vector<16xi32>
        %sub3A_117 = arith.subi %sub3A_115, %sub3A_116 : vector<16xi32>
        %max3A = arith.constant 0 : i32
        %max3A_118 = vector.broadcast %max3A : i32 to vector<16xi32>
        %max3A_119 = arith.maxsi %sub3A_117, %max3A_118 : vector<16xi32>
        %add3A_120 = vector.broadcast %mul3A_26 : i32 to vector<16xi32>
        %add3A_121 = arith.addi %add3A_120, %max3A_119 : vector<16xi32>
        %swap3A = arith.index_cast %mul3A_109 : i32 to index
        %swap3A_122 = tpu.vector_load %arg17[%swap3A] {strides = array<i32>} : memref<5888xi32, #tpu.memory_space<vmem>>, vector<16xi32>,
        %swap3A_123 = vector.shape_cast %swap3A_122 : vector<16xi32> to vector<16xi32>
        %swap3A_124 = vector.shape_cast %add3A_121 : vector<16xi32> to vector<16xi32>
        tpu.vector_store %arg17[%swap3A], %swap3A_124 {strides = array<i32>} : memref<5888xi32, #tpu.memory_space<vmem>>, vector<16xi32>,
        %scan3A_125 = arith.constant 0 : i32
        scf.yield %scan3A_125 : i32
      }
      %scan3A_66 = arith.constant 368 : i32
      %dma_start3A = arith.constant 0 : i32
      %dma_start3A_67 = tpu.memref_slice %arg14[%dma_start3A] : memref<95158272xi32, #tpu.memory_space<hbm>> -> memref<95158272xi32, #tpu.memory_space<hbm>>
      tpu.enqueue_indirect_dma source(%dma_start3A_67 : memref<95158272xi32, #tpu.memory_space<hbm>>) target(%arg18 : memref<5888xi32, #tpu.memory_space<vmem>>) offsets(%arg17 : memref<5888xi32, #tpu.memory_space<vmem>>) semaphore(%arg35 : memref<!tpu.dma_semaphore, #tpu.memory_space<semaphore_mem>>)
      %dma_start3A_68 = arith.constant 0 : i32
      %dma_start3A_69 = tpu.memref_slice %arg15[%dma_start3A_68] : memref<95158272xi32, #tpu.memory_space<hbm>> -> memref<95158272xi32, #tpu.memory_space<hbm>>
      tpu.enqueue_indirect_dma source(%dma_start3A_69 : memref<95158272xi32, #tpu.memory_space<hbm>>) target(%arg19 : memref<5888xi32, #tpu.memory_space<vmem>>) offsets(%arg17 : memref<5888xi32, #tpu.memory_space<vmem>>) semaphore(%arg35 : memref<!tpu.dma_semaphore, #tpu.memory_space<semaphore_mem>>)
      %dma_wait3A = arith.constant 0 : i32
      %dma_wait3A_70 = tpu.memref_slice %arg14[%dma_wait3A] : memref<95158272xi32, #tpu.memory_space<hbm>> -> memref<95158272xi32, #tpu.memory_space<hbm>>
      tpu.wait_indirect_dma semaphore(%arg35 : memref<!tpu.dma_semaphore, #tpu.memory_space<semaphore_mem>>) src(%dma_wait3A_70 : memref<95158272xi32, #tpu.memory_space<hbm>>) dst(%arg18 : memref<5888xi32, #tpu.memory_space<vmem>>)
      %dma_wait3A_71 = arith.constant 0 : i32
      %dma_wait3A_72 = tpu.memref_slice %arg15[%dma_wait3A_71] : memref<95158272xi32, #tpu.memory_space<hbm>> -> memref<95158272xi32, #tpu.memory_space<hbm>>
      tpu.wait_indirect_dma semaphore(%arg35 : memref<!tpu.dma_semaphore, #tpu.memory_space<semaphore_mem>>) src(%dma_wait3A_72 : memref<95158272xi32, #tpu.memory_space<hbm>>) dst(%arg19 : memref<5888xi32, #tpu.memory_space<vmem>>)
      %scan3A_73 = arith.constant 0 : i32
      %scan3A_74 = arith.constant 0 : i32
      %scan3A_75 = arith.constant 16 : i32
      %scan3A_76 = arith.addi %scan3A_74, %scan3A_75 : i32
      %scan3A_77 = arith.constant 1 : i32
      %scan3A_78 = scf.for %scan3A_106 = %scan3A_74 to %scan3A_76 step %scan3A_77 iter_args(%scan3A_107 = %scan3A_73) -> (i32)  : i32 {
        %mul3A_108 = arith.constant 16 : i32
        %mul3A_109 = arith.muli %scan3A_106, %mul3A_108 : i32
        %get3A_110 = arith.index_cast %mul3A_109 : i32 to index
        %get3A_111 = tpu.vector_load %arg29[%get3A_110] {strides = array<i32>} : memref<256xi32, #tpu.memory_space<vmem>>, vector<16xi32>,
        %get3A_112 = vector.shape_cast %get3A_111 : vector<16xi32> to vector<16xi32>
        %mul3A_113 = arith.constant 16 : i32
        %mul3A_114 = arith.muli %scan3A_106, %mul3A_113 : i32
        %get3A_115 = arith.index_cast %mul3A_114 : i32 to index
        %get3A_116 = tpu.vector_load %arg30[%get3A_115] {strides = array<i32>} : memref<256xi32, #tpu.memory_space<vmem>>, vector<16xi32>,
        %get3A_117 = vector.shape_cast %get3A_116 : vector<16xi32> to vector<16xi32>
        %slice3A_118 = vector.extract_strided_slice %get3A_112 {offsets = [0], sizes = [1], strides = [1]} : vector<16xi32> to vector<1xi32>
        %squeeze3A_119 = vector.extract %slice3A_118[0] : i32 from vector<1xi32>
        %mul3A_120 = arith.constant 361 : i32
        %mul3A_121 = arith.muli %squeeze3A_119, %mul3A_120 : i32
        %scan3A_122 = arith.constant 0 : i32
        %scan3A_123 = arith.constant 0 : i32
        %scan3A_124 = arith.constant 23 : i32
        %scan3A_125 = arith.addi %scan3A_123, %scan3A_124 : i32
        %scan3A_126 = arith.constant 1 : i32
        %scan3A_127 = scf.for %scan3A_130 = %scan3A_123 to %scan3A_125 step %scan3A_126 iter_args(%scan3A_131 = %scan3A_122) -> (i32)  : i32 {
          %mul3A_132 = arith.constant 16 : i32
          %mul3A_133 = arith.muli %scan3A_130, %mul3A_132 : i32
          %min3A = arith.constant 345 : i32
          %min3A_134 = arith.minsi %mul3A_133, %min3A : i32
          %mul3A_135 = arith.constant 361 : i32
          %mul3A_136 = arith.muli %scan3A_106, %mul3A_135 : i32
          %add3A_137 = arith.addi %mul3A_136, %min3A_134 : i32
          %get3A_138 = arith.index_cast %add3A_137 : i32 to index
          %get3A_139 = tpu.vector_load %arg16[%get3A_138] {strides = array<i32>} : memref<5888xi32, #tpu.memory_space<vmem>>, vector<16xi32>,
          %get3A_140 = vector.shape_cast %get3A_139 : vector<16xi32> to vector<16xi32>
          %add3A_141 = arith.constant 1 : i32
          %add3A_142 = arith.addi %add3A_137, %add3A_141 : i32
          %get3A_143 = arith.index_cast %add3A_142 : i32 to index
          %get3A_144 = tpu.vector_load %arg16[%get3A_143] {strides = array<i32>} : memref<5888xi32, #tpu.memory_space<vmem>>, vector<16xi32>,
          %get3A_145 = vector.shape_cast %get3A_144 : vector<16xi32> to vector<16xi32>
          %eq3A_146 = vector.broadcast %squeeze3A : i32 to vector<16xi32>
          %eq3A_147 = arith.cmpi eq, %get3A_140, %eq3A_146 : vector<16xi32>
          %get3A_148 = arith.index_cast %add3A_137 : i32 to index
          %get3A_149 = tpu.vector_load %arg18[%get3A_148] {strides = array<i32>} : memref<5888xi32, #tpu.memory_space<vmem>>, vector<16xi32>,
          %get3A_150 = vector.shape_cast %get3A_149 : vector<16xi32> to vector<16xi32>
          %jit3A = arith.constant 0 : i32
          %broadcast_in_dim3A_151 = vector.broadcast %jit3A : i32 to vector<16xi32>
          %select_n3A = arith.select %eq3A_147, %broadcast_in_dim3A_151, %get3A_150 : vector<16xi1>, vector<16xi32>
          %eq3A_152 = vector.broadcast %squeeze3A : i32 to vector<16xi32>
          %eq3A_153 = arith.cmpi eq, %get3A_145, %eq3A_152 : vector<16xi32>
          %add3A_154 = arith.constant 1 : i32
          %add3A_155 = arith.addi %add3A_137, %add3A_154 : i32
          %get3A_156 = arith.index_cast %add3A_155 : i32 to index
          %get3A_157 = tpu.vector_load %arg18[%get3A_156] {strides = array<i32>} : memref<5888xi32, #tpu.memory_space<vmem>>, vector<16xi32>,
          %get3A_158 = vector.shape_cast %get3A_157 : vector<16xi32> to vector<16xi32>
          %jit3A_159 = arith.constant 0 : i32
          %broadcast_in_dim3A_160 = vector.broadcast %jit3A_159 : i32 to vector<16xi32>
          %select_n3A_161 = arith.select %eq3A_153, %broadcast_in_dim3A_160, %get3A_158 : vector<16xi1>, vector<16xi32>
          %eq3A_162 = vector.broadcast %squeeze3A : i32 to vector<16xi32>
          %eq3A_163 = arith.cmpi eq, %get3A_140, %eq3A_162 : vector<16xi32>
          %get3A_164 = arith.index_cast %add3A_137 : i32 to index
          %get3A_165 = tpu.vector_load %arg19[%get3A_164] {strides = array<i32>} : memref<5888xi32, #tpu.memory_space<vmem>>, vector<16xi32>,
          %get3A_166 = vector.shape_cast %get3A_165 : vector<16xi32> to vector<16xi32>
          %jit3A_167 = arith.constant 0 : i32
          %broadcast_in_dim3A_168 = vector.broadcast %jit3A_167 : i32 to vector<16xi32>
          %select_n3A_169 = arith.select %eq3A_163, %broadcast_in_dim3A_168, %get3A_166 : vector<16xi1>, vector<16xi32>
          %eq3A_170 = vector.broadcast %squeeze3A : i32 to vector<16xi32>
          %eq3A_171 = arith.cmpi eq, %get3A_145, %eq3A_170 : vector<16xi32>
          %add3A_172 = arith.constant 1 : i32
          %add3A_173 = arith.addi %add3A_137, %add3A_172 : i32
          %get3A_174 = arith.index_cast %add3A_173 : i32 to index
          %get3A_175 = tpu.vector_load %arg19[%get3A_174] {strides = array<i32>} : memref<5888xi32, #tpu.memory_space<vmem>>, vector<16xi32>,
          %get3A_176 = vector.shape_cast %get3A_175 : vector<16xi32> to vector<16xi32>
          %jit3A_177 = arith.constant 0 : i32
          %broadcast_in_dim3A_178 = vector.broadcast %jit3A_177 : i32 to vector<16xi32>
          %select_n3A_179 = arith.select %eq3A_171, %broadcast_in_dim3A_178, %get3A_176 : vector<16xi1>, vector<16xi32>
          %eq3A_180 = arith.constant 0 : i32
          %eq3A_181 = vector.broadcast %eq3A_180 : i32 to vector<16xi32>
          %eq3A_182 = arith.cmpi eq, %get3A_112, %eq3A_181 : vector<16xi32>
          %xor3A = arith.xori %select_n3A, %select_n3A_161 : vector<16xi32>
          %xor3A_183 = arith.xori %select_n3A_169, %select_n3A_179 : vector<16xi32>
          %select_n3A_184 = arith.select %eq3A_182, %xor3A, %xor3A_183 : vector<16xi1>, vector<16xi32>
          %get3A_185 = arith.index_cast %add3A_137 : i32 to index
          %get3A_186 = tpu.vector_load %arg22[%get3A_185] {strides = array<i32>} : memref<5888xi32, #tpu.memory_space<vmem>>, vector<16xi32>,
          %get3A_187 = vector.shape_cast %get3A_186 : vector<16xi32> to vector<16xi32>
          %ne3A = arith.constant 0 : i32
          %ne3A_188 = vector.broadcast %ne3A : i32 to vector<16xi32>
          %ne3A_189 = arith.cmpi ne, %get3A_187, %ne3A_188 : vector<16xi32>
          %jit3A_190 = arith.constant 1 : i32
          %jit3A_191 = arith.constant 0 : i32
          %broadcast_in_dim3A_192 = vector.broadcast %jit3A_190 : i32 to vector<16xi32>
          %broadcast_in_dim3A_193 = vector.broadcast %jit3A_191 : i32 to vector<16xi32>
          %select_n3A_194 = arith.select %ne3A_189, %broadcast_in_dim3A_192, %broadcast_in_dim3A_193 : vector<16xi1>, vector<16xi32>
          %get3A_195 = arith.index_cast %add3A_137 : i32 to index
          %get3A_196 = tpu.vector_load %arg23[%get3A_195] {strides = array<i32>} : memref<5888xi32, #tpu.memory_space<vmem>>, vector<16xi32>,
          %get3A_197 = vector.shape_cast %get3A_196 : vector<16xi32> to vector<16xi32>
          %ne3A_198 = arith.constant 0 : i32
          %ne3A_199 = vector.broadcast %ne3A_198 : i32 to vector<16xi32>
          %ne3A_200 = arith.cmpi ne, %get3A_197, %ne3A_199 : vector<16xi32>
          %jit3A_201 = arith.constant 1 : i32
          %jit3A_202 = arith.constant 0 : i32
          %broadcast_in_dim3A_203 = vector.broadcast %jit3A_201 : i32 to vector<16xi32>
          %broadcast_in_dim3A_204 = vector.broadcast %jit3A_202 : i32 to vector<16xi32>
          %select_n3A_205 = arith.select %ne3A_200, %broadcast_in_dim3A_203, %broadcast_in_dim3A_204 : vector<16xi1>, vector<16xi32>
          %mul3A_206 = arith.muli %select_n3A_194, %select_n3A_205 : vector<16xi32>
          %add3A_207 = arith.addi %mul3A_121, %min3A_134 : i32
          %get3A_208 = arith.index_cast %add3A_207 : i32 to index
          %get3A_209 = tpu.vector_load %arg28[%get3A_208] {strides = array<i32>} : memref<728xi32, #tpu.memory_space<vmem>>, vector<16xi32>,
          %get3A_210 = vector.shape_cast %get3A_209 : vector<16xi32> to vector<16xi32>
          %xor3A_211 = arith.xori %get3A_117, %get3A_210 : vector<16xi32>
          %eq3A_212 = arith.constant 1 : i32
          %eq3A_213 = vector.broadcast %eq3A_212 : i32 to vector<16xi32>
          %eq3A_214 = arith.cmpi eq, %mul3A_206, %eq3A_213 : vector<16xi32>
          %jit3A_215 = arith.constant 0 : i32
          %broadcast_in_dim3A_216 = vector.broadcast %jit3A_215 : i32 to vector<16xi32>
          %select_n3A_217 = arith.select %eq3A_214, %select_n3A_184, %broadcast_in_dim3A_216 : vector<16xi1>, vector<16xi32>
          %xor3A_218 = arith.xori %xor3A_211, %select_n3A_217 : vector<16xi32>
          %swap3A = arith.index_cast %add3A_137 : i32 to index
          %swap3A_219 = tpu.vector_load %arg24[%swap3A] {strides = array<i32>} : memref<5888xi32, #tpu.memory_space<vmem>>, vector<16xi32>,
          %swap3A_220 = vector.shape_cast %swap3A_219 : vector<16xi32> to vector<16xi32>
          %swap3A_221 = vector.shape_cast %xor3A_218 : vector<16xi32> to vector<16xi32>
          tpu.vector_store %arg24[%swap3A], %swap3A_221 {strides = array<i32>} : memref<5888xi32, #tpu.memory_space<vmem>>, vector<16xi32>,
          %swap3A_222 = arith.index_cast %add3A_137 : i32 to index
          %swap3A_223 = tpu.vector_load %arg20[%swap3A_222] {strides = array<i32>} : memref<5888xi32, #tpu.memory_space<vmem>>, vector<16xi32>,
          %swap3A_224 = vector.shape_cast %swap3A_223 : vector<16xi32> to vector<16xi32>
          %swap3A_225 = vector.shape_cast %broadcast_in_dim3A_5 : vector<16xi32> to vector<16xi32>
          tpu.vector_store %arg20[%swap3A_222], %swap3A_225 {strides = array<i32>} : memref<5888xi32, #tpu.memory_space<vmem>>, vector<16xi32>,
          %broadcast_in_dim3A_226 = arith.constant 361 : i32
          %broadcast_in_dim3A_227 = vector.broadcast %broadcast_in_dim3A_226 : i32 to vector<16xi32>
          %swap3A_228 = arith.index_cast %add3A_137 : i32 to index
          %swap3A_229 = tpu.vector_load %arg21[%swap3A_228] {strides = array<i32>} : memref<5888xi32, #tpu.memory_space<vmem>>, vector<16xi32>,
          %swap3A_230 = vector.shape_cast %swap3A_229 : vector<16xi32> to vector<16xi32>
          %swap3A_231 = vector.shape_cast %broadcast_in_dim3A_227 : vector<16xi32> to vector<16xi32>
          tpu.vector_store %arg21[%swap3A_228], %swap3A_231 {strides = array<i32>} : memref<5888xi32, #tpu.memory_space<vmem>>, vector<16xi32>,
          %add3A_232 = arith.addi %add3A_55, %scan3A_106 : i32
          %mul3A_233 = arith.constant 361 : i32
          %mul3A_234 = arith.muli %add3A_232, %mul3A_233 : i32
          %add3A_235 = arith.constant 180 : i32
          %add3A_236 = arith.addi %mul3A_234, %add3A_235 : i32
          %broadcast_in_dim3A_237 = vector.broadcast %add3A_236 : i32 to vector<16xi32>
          %swap3A_238 = arith.index_cast %add3A_137 : i32 to index
          %swap3A_239 = tpu.vector_load %arg17[%swap3A_238] {strides = array<i32>} : memref<5888xi32, #tpu.memory_space<vmem>>, vector<16xi32>,
          %swap3A_240 = vector.shape_cast %swap3A_239 : vector<16xi32> to vector<16xi32>
          %swap3A_241 = vector.shape_cast %broadcast_in_dim3A_237 : vector<16xi32> to vector<16xi32>
          tpu.vector_store %arg17[%swap3A_238], %swap3A_241 {strides = array<i32>} : memref<5888xi32, #tpu.memory_space<vmem>>, vector<16xi32>,
          %scan3A_242 = arith.constant 0 : i32
          scf.yield %scan3A_242 : i32
        }
        %scan3A_128 = arith.constant 23 : i32
        %scan3A_129 = arith.constant 0 : i32
        scf.yield %scan3A_129 : i32
      }
      %scan3A_79 = arith.constant 16 : i32
      %scan3A_80 = arith.constant 0 : i32
      %scan3A_81 = arith.constant 361 : i32
      %scan3A_82 = arith.constant 7 : i32
      %scan3A_83 = arith.addi %scan3A_81, %scan3A_82 : i32
      %scan3A_84 = arith.constant 1 : i32
      %scan3A_85 = scf.for %scan3A_106 = %scan3A_81 to %scan3A_83 step %scan3A_84 iter_args(%scan3A_107 = %scan3A_80) -> (i32)  : i32 {
        %mul3A_108 = arith.constant 16 : i32
        %mul3A_109 = arith.muli %scan3A_106, %mul3A_108 : i32
        %swap3A = arith.index_cast %mul3A_109 : i32 to index
        %swap3A_110 = tpu.vector_load %arg20[%swap3A] {strides = array<i32>} : memref<5888xi32, #tpu.memory_space<vmem>>, vector<16xi32>,
        %swap3A_111 = vector.shape_cast %swap3A_110 : vector<16xi32> to vector<16xi32>
        %swap3A_112 = vector.shape_cast %broadcast_in_dim3A_5 : vector<16xi32> to vector<16xi32>
        tpu.vector_store %arg20[%swap3A], %swap3A_112 {strides = array<i32>} : memref<5888xi32, #tpu.memory_space<vmem>>, vector<16xi32>,
        %broadcast_in_dim3A_113 = arith.constant 361 : i32
        %broadcast_in_dim3A_114 = vector.broadcast %broadcast_in_dim3A_113 : i32 to vector<16xi32>
        %mul3A_115 = arith.constant 16 : i32
        %mul3A_116 = arith.muli %scan3A_106, %mul3A_115 : i32
        %swap3A_117 = arith.index_cast %mul3A_116 : i32 to index
        %swap3A_118 = tpu.vector_load %arg21[%swap3A_117] {strides = array<i32>} : memref<5888xi32, #tpu.memory_space<vmem>>, vector<16xi32>,
        %swap3A_119 = vector.shape_cast %swap3A_118 : vector<16xi32> to vector<16xi32>
        %swap3A_120 = vector.shape_cast %broadcast_in_dim3A_114 : vector<16xi32> to vector<16xi32>
        tpu.vector_store %arg21[%swap3A_117], %swap3A_120 {strides = array<i32>} : memref<5888xi32, #tpu.memory_space<vmem>>, vector<16xi32>,
        %add3A_121 = arith.constant 16 : i32
        %add3A_122 = arith.addi %add3A_55, %add3A_121 : i32
        %mul3A_123 = arith.constant 361 : i32
        %mul3A_124 = arith.muli %add3A_122, %mul3A_123 : i32
        %add3A_125 = arith.constant 180 : i32
        %add3A_126 = arith.addi %mul3A_124, %add3A_125 : i32
        %broadcast_in_dim3A_127 = vector.broadcast %add3A_126 : i32 to vector<16xi32>
        %mul3A_128 = arith.constant 16 : i32
        %mul3A_129 = arith.muli %scan3A_106, %mul3A_128 : i32
        %swap3A_130 = arith.index_cast %mul3A_129 : i32 to index
        %swap3A_131 = tpu.vector_load %arg17[%swap3A_130] {strides = array<i32>} : memref<5888xi32, #tpu.memory_space<vmem>>, vector<16xi32>,
        %swap3A_132 = vector.shape_cast %swap3A_131 : vector<16xi32> to vector<16xi32>
        %swap3A_133 = vector.shape_cast %broadcast_in_dim3A_127 : vector<16xi32> to vector<16xi32>
        tpu.vector_store %arg17[%swap3A_130], %swap3A_133 {strides = array<i32>} : memref<5888xi32, #tpu.memory_space<vmem>>, vector<16xi32>,
        %scan3A_134 = arith.constant 0 : i32
        scf.yield %scan3A_134 : i32
      }
      %scan3A_86 = arith.constant 7 : i32
      %scan3A_87 = arith.constant 0 : i32
      %scan3A_88 = arith.constant 0 : i32
      %scan3A_89 = arith.constant 9 : i32
      %scan3A_90 = arith.addi %scan3A_88, %scan3A_89 : i32
      %scan3A_91 = arith.constant 1 : i32
      %scan3A_92 = scf.for %scan3A_106 = %scan3A_88 to %scan3A_90 step %scan3A_91 iter_args(%scan3A_107 = %scan3A_87) -> (i32)  : i32 {
        %dma_start3A_108 = arith.constant 0 : i32
        %dma_start3A_109 = tpu.memref_slice %arg34[%dma_start3A_108] : memref<739696xi32, #tpu.memory_space<vmem_shared>> -> memref<739696xi32, #tpu.memory_space<vmem_shared>>
        tpu.enqueue_indirect_dma source(%dma_start3A_109 : memref<739696xi32, #tpu.memory_space<vmem_shared>>) target(%arg23 : memref<5888xi32, #tpu.memory_space<vmem>>) offsets(%arg17 : memref<5888xi32, #tpu.memory_space<vmem>>) semaphore(%arg35 : memref<!tpu.dma_semaphore, #tpu.memory_space<semaphore_mem>>)
        %dma_wait3A_110 = arith.constant 0 : i32
        %dma_wait3A_111 = tpu.memref_slice %arg34[%dma_wait3A_110] : memref<739696xi32, #tpu.memory_space<vmem_shared>> -> memref<739696xi32, #tpu.memory_space<vmem_shared>>
        tpu.wait_indirect_dma semaphore(%arg35 : memref<!tpu.dma_semaphore, #tpu.memory_space<semaphore_mem>>) src(%dma_wait3A_111 : memref<739696xi32, #tpu.memory_space<vmem_shared>>) dst(%arg23 : memref<5888xi32, #tpu.memory_space<vmem>>)
        %scan3A_112 = arith.constant 0 : i32
        %scan3A_113 = arith.constant 0 : i32
        %scan3A_114 = arith.constant 368 : i32
        %scan3A_115 = arith.addi %scan3A_113, %scan3A_114 : i32
        %scan3A_116 = arith.constant 1 : i32
        %scan3A_117 = scf.for %scan3A_120 = %scan3A_113 to %scan3A_115 step %scan3A_116 iter_args(%scan3A_121 = %scan3A_112) -> (i32)  : i32 {
          %mul3A_122 = arith.constant 16 : i32
          %mul3A_123 = arith.muli %scan3A_120, %mul3A_122 : i32
          %get3A_124 = arith.index_cast %mul3A_123 : i32 to index
          %get3A_125 = tpu.vector_load %arg20[%get3A_124] {strides = array<i32>} : memref<5888xi32, #tpu.memory_space<vmem>>, vector<16xi32>,
          %get3A_126 = vector.shape_cast %get3A_125 : vector<16xi32> to vector<16xi32>
          %get3A_127 = arith.index_cast %mul3A_123 : i32 to index
          %get3A_128 = tpu.vector_load %arg21[%get3A_127] {strides = array<i32>} : memref<5888xi32, #tpu.memory_space<vmem>>, vector<16xi32>,
          %get3A_129 = vector.shape_cast %get3A_128 : vector<16xi32> to vector<16xi32>
          %add3A_130 = arith.addi %get3A_126, %get3A_129 : vector<16xi32>
          %shift_right_arithmetic3A = arith.constant 1 : i32
          %shift_right_arithmetic3A_131 = vector.broadcast %shift_right_arithmetic3A : i32 to vector<16xi32>
          %shift_right_arithmetic3A_132 = arith.shrsi %add3A_130, %shift_right_arithmetic3A_131 : vector<16xi32>
          %lt3A = arith.cmpi slt, %get3A_126, %get3A_129 : vector<16xi32>
          %jit3A = arith.constant 1 : i32
          %jit3A_133 = arith.constant 0 : i32
          %broadcast_in_dim3A_134 = vector.broadcast %jit3A : i32 to vector<16xi32>
          %broadcast_in_dim3A_135 = vector.broadcast %jit3A_133 : i32 to vector<16xi32>
          %select_n3A = arith.select %lt3A, %broadcast_in_dim3A_134, %broadcast_in_dim3A_135 : vector<16xi1>, vector<16xi32>
          %get3A_136 = arith.index_cast %mul3A_123 : i32 to index
          %get3A_137 = tpu.vector_load %arg23[%get3A_136] {strides = array<i32>} : memref<5888xi32, #tpu.memory_space<vmem>>, vector<16xi32>,
          %get3A_138 = vector.shape_cast %get3A_137 : vector<16xi32> to vector<16xi32>
          %get3A_139 = arith.index_cast %mul3A_123 : i32 to index
          %get3A_140 = tpu.vector_load %arg24[%get3A_139] {strides = array<i32>} : memref<5888xi32, #tpu.memory_space<vmem>>, vector<16xi32>,
          %get3A_141 = vector.shape_cast %get3A_140 : vector<16xi32> to vector<16xi32>
          %lt3A_142 = arith.cmpi slt, %get3A_138, %get3A_141 : vector<16xi32>
          %jit3A_143 = arith.constant 1 : i32
          %jit3A_144 = arith.constant 0 : i32
          %broadcast_in_dim3A_145 = vector.broadcast %jit3A_143 : i32 to vector<16xi32>
          %broadcast_in_dim3A_146 = vector.broadcast %jit3A_144 : i32 to vector<16xi32>
          %select_n3A_147 = arith.select %lt3A_142, %broadcast_in_dim3A_145, %broadcast_in_dim3A_146 : vector<16xi1>, vector<16xi32>
          %mul3A_148 = arith.muli %select_n3A, %select_n3A_147 : vector<16xi32>
          %eq3A_149 = arith.constant 1 : i32
          %eq3A_150 = vector.broadcast %eq3A_149 : i32 to vector<16xi32>
          %eq3A_151 = arith.cmpi eq, %mul3A_148, %eq3A_150 : vector<16xi32>
          %add3A_152 = arith.constant 1 : i32
          %add3A_153 = vector.broadcast %add3A_152 : i32 to vector<16xi32>
          %add3A_154 = arith.addi %shift_right_arithmetic3A_132, %add3A_153 : vector<16xi32>
          %select_n3A_155 = arith.select %eq3A_151, %add3A_154, %get3A_126 : vector<16xi1>, vector<16xi32>
          %sub3A_156 = arith.constant 1 : i32
          %sub3A_157 = vector.broadcast %sub3A_156 : i32 to vector<16xi32>
          %sub3A_158 = arith.subi %sub3A_157, %select_n3A_147 : vector<16xi32>
          %mul3A_159 = arith.muli %select_n3A, %sub3A_158 : vector<16xi32>
          %eq3A_160 = arith.constant 1 : i32
          %eq3A_161 = vector.broadcast %eq3A_160 : i32 to vector<16xi32>
          %eq3A_162 = arith.cmpi eq, %mul3A_159, %eq3A_161 : vector<16xi32>
          %select_n3A_163 = arith.select %eq3A_162, %shift_right_arithmetic3A_132, %get3A_129 : vector<16xi1>, vector<16xi32>
          %swap3A = arith.index_cast %mul3A_123 : i32 to index
          %swap3A_164 = tpu.vector_load %arg20[%swap3A] {strides = array<i32>} : memref<5888xi32, #tpu.memory_space<vmem>>, vector<16xi32>,
          %swap3A_165 = vector.shape_cast %swap3A_164 : vector<16xi32> to vector<16xi32>
          %swap3A_166 = vector.shape_cast %select_n3A_155 : vector<16xi32> to vector<16xi32>
          tpu.vector_store %arg20[%swap3A], %swap3A_166 {strides = array<i32>} : memref<5888xi32, #tpu.memory_space<vmem>>, vector<16xi32>,
          %swap3A_167 = arith.index_cast %mul3A_123 : i32 to index
          %swap3A_168 = tpu.vector_load %arg21[%swap3A_167] {strides = array<i32>} : memref<5888xi32, #tpu.memory_space<vmem>>, vector<16xi32>,
          %swap3A_169 = vector.shape_cast %swap3A_168 : vector<16xi32> to vector<16xi32>
          %swap3A_170 = vector.shape_cast %select_n3A_163 : vector<16xi32> to vector<16xi32>
          tpu.vector_store %arg21[%swap3A_167], %swap3A_170 {strides = array<i32>} : memref<5888xi32, #tpu.memory_space<vmem>>, vector<16xi32>,
          %add3A_171 = vector.broadcast %mul3A_123 : i32 to vector<16xi32>
          %add3A_172 = arith.addi %add3A_171, %iota3A : vector<16xi32>
          %div3A_173 = arith.constant 361 : i32
          %div3A_174 = vector.broadcast %div3A_173 : i32 to vector<16xi32>
          %div3A_175 = arith.divsi %add3A_172, %div3A_174 : vector<16xi32>
          %add3A_176 = vector.broadcast %add3A_55 : i32 to vector<16xi32>
          %add3A_177 = arith.addi %add3A_176, %div3A_175 : vector<16xi32>
          %mul3A_178 = arith.constant 361 : i32
          %mul3A_179 = vector.broadcast %mul3A_178 : i32 to vector<16xi32>
          %mul3A_180 = arith.muli %add3A_177, %mul3A_179 : vector<16xi32>
          %add3A_181 = arith.addi %select_n3A_155, %select_n3A_163 : vector<16xi32>
          %shift_right_arithmetic3A_182 = arith.constant 1 : i32
          %shift_right_arithmetic3A_183 = vector.broadcast %shift_right_arithmetic3A_182 : i32 to vector<16xi32>
          %shift_right_arithmetic3A_184 = arith.shrsi %add3A_181, %shift_right_arithmetic3A_183 : vector<16xi32>
          %jit3A_185 = arith.constant 0 : i32
          %jit3A_186 = arith.constant 360 : i32
          %max3A = vector.broadcast %jit3A_185 : i32 to vector<16xi32>
          %max3A_187 = arith.maxsi %max3A, %shift_right_arithmetic3A_184 : vector<16xi32>
          %min3A = vector.broadcast %jit3A_186 : i32 to vector<16xi32>
          %min3A_188 = arith.minsi %min3A, %max3A_187 : vector<16xi32>
          %add3A_189 = arith.addi %mul3A_180, %min3A_188 : vector<16xi32>
          %swap3A_190 = arith.index_cast %mul3A_123 : i32 to index
          %swap3A_191 = tpu.vector_load %arg17[%swap3A_190] {strides = array<i32>} : memref<5888xi32, #tpu.memory_space<vmem>>, vector<16xi32>,
          %swap3A_192 = vector.shape_cast %swap3A_191 : vector<16xi32> to vector<16xi32>
          %swap3A_193 = vector.shape_cast %add3A_189 : vector<16xi32> to vector<16xi32>
          tpu.vector_store %arg17[%swap3A_190], %swap3A_193 {strides = array<i32>} : memref<5888xi32, #tpu.memory_space<vmem>>, vector<16xi32>,
          %scan3A_194 = arith.constant 0 : i32
          scf.yield %scan3A_194 : i32
        }
        %scan3A_118 = arith.constant 368 : i32
        %scan3A_119 = arith.constant 0 : i32
        scf.yield %scan3A_119 : i32
      }
      %scan3A_93 = arith.constant 9 : i32
      %dma_start3A_94 = arith.constant 0 : i32
      %dma_start3A_95 = tpu.memref_slice %arg34[%dma_start3A_94] : memref<739696xi32, #tpu.memory_space<vmem_shared>> -> memref<739696xi32, #tpu.memory_space<vmem_shared>>
      tpu.enqueue_indirect_dma source(%dma_start3A_95 : memref<739696xi32, #tpu.memory_space<vmem_shared>>) target(%arg23 : memref<5888xi32, #tpu.memory_space<vmem>>) offsets(%arg17 : memref<5888xi32, #tpu.memory_space<vmem>>) semaphore(%arg35 : memref<!tpu.dma_semaphore, #tpu.memory_space<semaphore_mem>>)
      %dma_wait3A_96 = arith.constant 0 : i32
      %dma_wait3A_97 = tpu.memref_slice %arg34[%dma_wait3A_96] : memref<739696xi32, #tpu.memory_space<vmem_shared>> -> memref<739696xi32, #tpu.memory_space<vmem_shared>>
      tpu.wait_indirect_dma semaphore(%arg35 : memref<!tpu.dma_semaphore, #tpu.memory_space<semaphore_mem>>) src(%dma_wait3A_97 : memref<739696xi32, #tpu.memory_space<vmem_shared>>) dst(%arg23 : memref<5888xi32, #tpu.memory_space<vmem>>)
      %scan3A_98 = arith.constant 0 : i32
      %scan3A_99 = arith.constant 0 : i32
      %scan3A_100 = arith.constant 361 : i32
      %scan3A_101 = arith.addi %scan3A_99, %scan3A_100 : i32
      %scan3A_102 = arith.constant 1 : i32
      %scan3A_103 = scf.for %scan3A_106 = %scan3A_99 to %scan3A_101 step %scan3A_102 iter_args(%scan3A_107 = %scan3A_98) -> (i32)  : i32 {
        %mul3A_108 = arith.constant 16 : i32
        %mul3A_109 = arith.muli %scan3A_106, %mul3A_108 : i32
        %get3A_110 = arith.index_cast %mul3A_109 : i32 to index
        %get3A_111 = tpu.vector_load %arg20[%get3A_110] {strides = array<i32>} : memref<5888xi32, #tpu.memory_space<vmem>>, vector<16xi32>,
        %get3A_112 = vector.shape_cast %get3A_111 : vector<16xi32> to vector<16xi32>
        %lt3A = arith.constant 361 : i32
        %lt3A_113 = vector.broadcast %lt3A : i32 to vector<16xi32>
        %lt3A_114 = arith.cmpi slt, %get3A_112, %lt3A_113 : vector<16xi32>
        %jit3A = arith.constant 1 : i32
        %jit3A_115 = arith.constant 0 : i32
        %broadcast_in_dim3A_116 = vector.broadcast %jit3A : i32 to vector<16xi32>
        %broadcast_in_dim3A_117 = vector.broadcast %jit3A_115 : i32 to vector<16xi32>
        %select_n3A = arith.select %lt3A_114, %broadcast_in_dim3A_116, %broadcast_in_dim3A_117 : vector<16xi1>, vector<16xi32>
        %get3A_118 = arith.index_cast %mul3A_109 : i32 to index
        %get3A_119 = tpu.vector_load %arg23[%get3A_118] {strides = array<i32>} : memref<5888xi32, #tpu.memory_space<vmem>>, vector<16xi32>,
        %get3A_120 = vector.shape_cast %get3A_119 : vector<16xi32> to vector<16xi32>
        %get3A_121 = arith.index_cast %mul3A_109 : i32 to index
        %get3A_122 = tpu.vector_load %arg24[%get3A_121] {strides = array<i32>} : memref<5888xi32, #tpu.memory_space<vmem>>, vector<16xi32>,
        %get3A_123 = vector.shape_cast %get3A_122 : vector<16xi32> to vector<16xi32>
        %eq3A_124 = arith.cmpi eq, %get3A_120, %get3A_123 : vector<16xi32>
        %jit3A_125 = arith.constant 1 : i32
        %jit3A_126 = arith.constant 0 : i32
        %broadcast_in_dim3A_127 = vector.broadcast %jit3A_125 : i32 to vector<16xi32>
        %broadcast_in_dim3A_128 = vector.broadcast %jit3A_126 : i32 to vector<16xi32>
        %select_n3A_129 = arith.select %eq3A_124, %broadcast_in_dim3A_127, %broadcast_in_dim3A_128 : vector<16xi1>, vector<16xi32>
        %get3A_130 = arith.index_cast %mul3A_109 : i32 to index
        %get3A_131 = tpu.vector_load %arg22[%get3A_130] {strides = array<i32>} : memref<5888xi32, #tpu.memory_space<vmem>>, vector<16xi32>,
        %get3A_132 = vector.shape_cast %get3A_131 : vector<16xi32> to vector<16xi32>
        %ne3A = arith.constant 0 : i32
        %ne3A_133 = vector.broadcast %ne3A : i32 to vector<16xi32>
        %ne3A_134 = arith.cmpi ne, %get3A_132, %ne3A_133 : vector<16xi32>
        %jit3A_135 = arith.constant 1 : i32
        %jit3A_136 = arith.constant 0 : i32
        %broadcast_in_dim3A_137 = vector.broadcast %jit3A_135 : i32 to vector<16xi32>
        %broadcast_in_dim3A_138 = vector.broadcast %jit3A_136 : i32 to vector<16xi32>
        %select_n3A_139 = arith.select %ne3A_134, %broadcast_in_dim3A_137, %broadcast_in_dim3A_138 : vector<16xi1>, vector<16xi32>
        %mul3A_140 = arith.muli %select_n3A, %select_n3A_129 : vector<16xi32>
        %sub3A_141 = arith.constant 1 : i32
        %sub3A_142 = vector.broadcast %sub3A_141 : i32 to vector<16xi32>
        %sub3A_143 = arith.subi %sub3A_142, %mul3A_140 : vector<16xi32>
        %mul3A_144 = arith.muli %select_n3A_139, %sub3A_143 : vector<16xi32>
        %swap3A = arith.index_cast %mul3A_109 : i32 to index
        %swap3A_145 = tpu.vector_load %arg21[%swap3A] {strides = array<i32>} : memref<5888xi32, #tpu.memory_space<vmem>>, vector<16xi32>,
        %swap3A_146 = vector.shape_cast %swap3A_145 : vector<16xi32> to vector<16xi32>
        %swap3A_147 = vector.shape_cast %mul3A_144 : vector<16xi32> to vector<16xi32>
        tpu.vector_store %arg21[%swap3A], %swap3A_147 {strides = array<i32>} : memref<5888xi32, #tpu.memory_space<vmem>>, vector<16xi32>,
        %scan3A_148 = arith.constant 0 : i32
        scf.yield %scan3A_148 : i32
      }
      %scan3A_104 = arith.constant 361 : i32
      "tpu.region"() ({
        %run_scoped3A = tpu.sem_alloc : memref<!tpu.dma_semaphore, #tpu.memory_space<semaphore_mem>>
        %dma_start3A_106 = arith.constant 0 : i32
        %dma_start3A_107 = tpu.memref_slice %arg24[%dma_start3A_106] : memref<5888xi32, #tpu.memory_space<vmem>> -> memref<5776xi32, #tpu.memory_space<vmem>>
        %dma_start3A_108 = tpu.memref_slice %arg12[%multiple_of3A] : memref<1478656xi32, #tpu.memory_space<hbm>> -> memref<5776xi32, #tpu.memory_space<hbm>>
        %dma_start3A_109 = tpu.memref_slice %arg12[%multiple_of3A] : memref<1478656xi32, #tpu.memory_space<hbm>> -> memref<5776xi32, #tpu.memory_space<hbm>>
        %dma_start3A_110 = arith.constant 0 : i32
        %dma_start3A_111 = tpu.memref_slice %arg24[%dma_start3A_110] : memref<5888xi32, #tpu.memory_space<vmem>> -> memref<5776xi32, #tpu.memory_space<vmem>>
        tpu.enqueue_dma source(%dma_start3A_111 : memref<5776xi32, #tpu.memory_space<vmem>>) target(%dma_start3A_109 : memref<5776xi32, #tpu.memory_space<hbm>>) target_semaphore(%run_scoped3A : memref<!tpu.dma_semaphore, #tpu.memory_space<semaphore_mem>>)
        %dma_wait3A_112 = arith.constant 0 : i32
        %dma_wait3A_113 = tpu.memref_slice %arg24[%dma_wait3A_112] : memref<5888xi32, #tpu.memory_space<vmem>> -> memref<5776xi32, #tpu.memory_space<vmem>>
        %dma_wait3A_114 = tpu.memref_slice %arg12[%multiple_of3A] : memref<1478656xi32, #tpu.memory_space<hbm>> -> memref<5776xi32, #tpu.memory_space<hbm>>
        %dma_wait3A_115 = tpu.memref_slice %arg12[%multiple_of3A] : memref<1478656xi32, #tpu.memory_space<hbm>> -> memref<5776xi32, #tpu.memory_space<hbm>>
        %dma_wait3A_116 = arith.constant 0 : i32
        %dma_wait3A_117 = tpu.memref_slice %arg24[%dma_wait3A_116] : memref<5888xi32, #tpu.memory_space<vmem>> -> memref<5776xi32, #tpu.memory_space<vmem>>
        tpu.wait_dma2 semaphore(%run_scoped3A : memref<!tpu.dma_semaphore, #tpu.memory_space<semaphore_mem>>) src(%dma_wait3A_117 : memref<5776xi32, #tpu.memory_space<vmem>>) dst(%dma_wait3A_115 : memref<5776xi32, #tpu.memory_space<hbm>>)
        tpu.yield
      }) : () -> ()
      "tpu.region"() ({
        %run_scoped3A = tpu.sem_alloc : memref<!tpu.dma_semaphore, #tpu.memory_space<semaphore_mem>>
        %dma_start3A_106 = arith.constant 0 : i32
        %dma_start3A_107 = tpu.memref_slice %arg21[%dma_start3A_106] : memref<5888xi32, #tpu.memory_space<vmem>> -> memref<5776xi32, #tpu.memory_space<vmem>>
        %dma_start3A_108 = tpu.memref_slice %arg13[%multiple_of3A] : memref<1478656xi32, #tpu.memory_space<hbm>> -> memref<5776xi32, #tpu.memory_space<hbm>>
        %dma_start3A_109 = tpu.memref_slice %arg13[%multiple_of3A] : memref<1478656xi32, #tpu.memory_space<hbm>> -> memref<5776xi32, #tpu.memory_space<hbm>>
        %dma_start3A_110 = arith.constant 0 : i32
        %dma_start3A_111 = tpu.memref_slice %arg21[%dma_start3A_110] : memref<5888xi32, #tpu.memory_space<vmem>> -> memref<5776xi32, #tpu.memory_space<vmem>>
        tpu.enqueue_dma source(%dma_start3A_111 : memref<5776xi32, #tpu.memory_space<vmem>>) target(%dma_start3A_109 : memref<5776xi32, #tpu.memory_space<hbm>>) target_semaphore(%run_scoped3A : memref<!tpu.dma_semaphore, #tpu.memory_space<semaphore_mem>>)
        %dma_wait3A_112 = arith.constant 0 : i32
        %dma_wait3A_113 = tpu.memref_slice %arg21[%dma_wait3A_112] : memref<5888xi32, #tpu.memory_space<vmem>> -> memref<5776xi32, #tpu.memory_space<vmem>>
        %dma_wait3A_114 = tpu.memref_slice %arg13[%multiple_of3A] : memref<1478656xi32, #tpu.memory_space<hbm>> -> memref<5776xi32, #tpu.memory_space<hbm>>
        %dma_wait3A_115 = tpu.memref_slice %arg13[%multiple_of3A] : memref<1478656xi32, #tpu.memory_space<hbm>> -> memref<5776xi32, #tpu.memory_space<hbm>>
        %dma_wait3A_116 = arith.constant 0 : i32
        %dma_wait3A_117 = tpu.memref_slice %arg21[%dma_wait3A_116] : memref<5888xi32, #tpu.memory_space<vmem>> -> memref<5776xi32, #tpu.memory_space<vmem>>
        tpu.wait_dma2 semaphore(%run_scoped3A : memref<!tpu.dma_semaphore, #tpu.memory_space<semaphore_mem>>) src(%dma_wait3A_117 : memref<5776xi32, #tpu.memory_space<vmem>>) dst(%dma_wait3A_115 : memref<5776xi32, #tpu.memory_space<hbm>>)
        tpu.yield
      }) : () -> ()
      %scan3A_105 = arith.constant 0 : i32
      scf.yield %scan3A_105 : i32
    }
    %scan3A_42 = arith.constant 8 : i32
    return
  }
}

</mosaic_0001>

<sc_bundles>
// kernel: tensor_board_sc.3.cloned.1.call-start
scs
__scs_entry_jumppad:
0x0: {  	(pc) =	sbr.rel $0x88, $3  }
0x1: {  	(tag) =	ssettag $0x0;
	lr =	simm.s32 $0x1  }
0x2: {  	[smem:$0x3F99] =	sst lr;
	_ =	strace $0xD0000000  }
0x3: {  	_ = 	snop  }
0x4: {  	_ = 	snop  }
0x5: {  	_ = 	snop  }
0x6: {  	_ = 	snop  }
0x7: {  	_ = 	snop  }
__scs_overlays_trampoline_lowered:
0x8: {  	[smem:$0x3FA8] =	sst s0  }
0x9: {  	[smem:$0x3FA9] =	sst s1  }
0xa: {  	[smem:$0x3FAA] =	sst s2  }
0xb: {  	[smem:$0x3FAB] =	sst s3  }
0xc: {  	[smem:$0x3FAC] =	sst s4  }
0xd: {  	[smem:$0x3FAD] =	sst s5  }
0xe: {  	[smem:$0x3FAE] =	sst s6  }
0xf: {  	[smem:$0x3FAF] =	sst s7  }
0x10: {  	[smem:$0x3FB0] =	sst s8  }
0x11: {  	[smem:$0x3FB1] =	sst s9;
	s0 =	simm.s32 @!p0 $0x0  }
0x12: {  	s1 =	sld [smem:$0x3F97];
	s0 =	simm.s32 @p0 $0x1  }
0x13: {  	[smem:$0x3FB2] =	sst s0;
	s0 =	simm.s32 @!p1 $0x0  }
0x14: {  	s2 =	sld [smem:$0x3F96];
	s0 =	simm.s32 @p1 $0x1  }
0x15: {  	[smem:$0x3FB3] =	sst s0;
	s0 =	simm.s32 @!p2 $0x0  }
0x16: {  	s3 =	sld [smem:$0x3FDB];
	s0 =	simm.s32 @p2 $0x1  }
0x17: {  	s4 =	simm.s32 $0x1BF5;
	[smem:$0x3FB5] =	sst s0  }
0x18: {  	s0 =	sld [smem:$0x3F98];
	_ =	swait.ge [sflag:s4], $0x0  }
0x19: {  	s7 =	sld [smem:$0x3F99]  }
0x1a: {  	s8 =	sadd.s32 $0xFFFFE003, lr  }
0x1b: {  	s9 =	sadd.s32 $0xFFFFFEF7, lr;
	s5 =	simm.s32 $0xFFFFFFFF;
	p2 =	slt.u32 s8, $0xFFFFF086  }
0x1c: {  	p1 =	slt.u32 s9, $0xF7A;
	s5 =	simm.s32 @!p2 $0x0  }
0x1d: {  	s5 =	simm.s32 @p1 $0x1;
	p0 =	seq.s32 s7, s2  }
0x1e: {  	s7 =	smul.u32 @!p0 $0xF7A, s2;
	p2 =	seq.s32 @!p0 s5, $0x0  }
0x1f: {  	s9 =	smul.u32 $0xF7A, s1;
	s8 =	simm.s32 @!p0 $0x1BF5;
	p2 =	por !p2, p0  }
0x20: {  	[sflag:s8] =	ssyncset.s32 @!p0 $0xFFFFF086;
	s6 =	sadd.s32 @!p0 s3, s7;
	s7 =	simm.s32 @!p0 $0x108  }
0x21: {  	s3 =	sadd.s32 s3, s9;
	s6 =	sadd.s32 @!p0 $0x88, s6;
	s7 =	simm.s32 @p2 $0x1082  }
0x22: {  	[simem:s7], [sflag:s8] =	dma.local @!p0 [hbm:s6], $0xF7A  }
0x23: {  	s9 =	sor.u32 $0xD0000000, s2;
	s6 =	simm.s32 $0x108;
	_ =	swait.ge @!p0 [sflag:s8], $0x0  }
0x24: {  	s3 =	sadd.s32 $0x88, s3;
	s6 =	simm.s32 @!p1 $0x1082;
	[sflag:s4] =	ssyncset.s32 $0xFFFFF086  }
0x25: {  	[simem:s6], [sflag:s4] =	dma.local [hbm:s3], $0xF7A  }
0x26: {  	[smem:$0x3F99] =	sst s1;
	(tag) =	ssettag s2;
	_ =	strace s9  }
0x27: {  	s1 =	sld [smem:$0x3FA9]  }
0x28: {  	s2 =	sld [smem:$0x3FAA]  }
0x29: {  	s4 =	sld [smem:$0x3FAC]  }
0x2a: {  	p0 =	seq.s32 s5, $0x0;
	s5 =	sld [smem:$0x3FAD]  }
0x2b: {  	s6 =	sld [smem:$0x3FAE]  }
0x2c: {  	s7 =	sld [smem:$0x3FAF]  }
0x2d: {  	s3 =	simm.s32 $0x108;
	s8 =	sld [smem:$0x3FB0]  }
0x2e: {  	s3 =	simm.s32 @!p0 $0x1082;
	s9 =	sld [smem:$0x3FB1]  }
0x2f: {  	lr =	sadd.s32 s0, s3;
	s0 =	sld [smem:$0x3FA8]  }
0x30: {  	s3 =	sld [smem:$0x3FAB]  }
0x31: {  	[smem:$0x3FB4] =	sst s10  }
0x32: {  	s10 =	sld [smem:$0x3FB2];
	_ =	sdelay $0x3  }
0x33: {  	p0 =	seq.s32 s10, $0x1;
	s10 =	sld [smem:$0x3FB4];
	_ =	sdelay $0x3  }
0x34: {  	[smem:$0x3FB4] =	sst s10  }
0x35: {  	s10 =	sld [smem:$0x3FB3];
	_ =	sdelay $0x3  }
0x36: {  	p1 =	seq.s32 s10, $0x1;
	s10 =	sld [smem:$0x3FB4];
	_ =	sdelay $0x3  }
0x37: {  	[smem:$0x3FB4] =	sst s10  }
0x38: {  	s10 =	sld [smem:$0x3FB5]  }
0x39: {  	_ = 	snop;
	(pc) =	sbr.ind lr, $3  }
0x3a: {  	_ = 	snop  }
0x3b: {  	_ = 	snop  }
0x3c: {  	p2 =	seq.s32 s10, $0x1;
	s10 =	sld [smem:$0x3FB4]  }
0x3d: {  	_ =	shalt  }
0x3e: {  	_ =	shalt  }
0x3f: {  	_ =	shalt  }
0x40: {  	_ =	shalt  }
0x41: {  	_ =	shalt  }
0x42: {  	_ =	shalt  }
0x43: {  	_ =	shalt  }
0x44: {  	_ =	shalt  }
0x45: {  	_ =	shalt  }
0x46: {  	_ =	shalt  }
0x47: {  	_ =	shalt  }
0x48: {  	_ =	shalt  }
0x49: {  	_ =	shalt  }
0x4a: {  	_ =	shalt  }
0x4b: {  	_ =	shalt  }
0x4c: {  	_ =	shalt  }
0x4d: {  	_ =	shalt  }
0x4e: {  	_ =	shalt  }
0x4f: {  	_ =	shalt  }
0x50: {  	_ =	shalt  }
0x51: {  	_ =	shalt  }
0x52: {  	_ =	shalt  }
0x53: {  	_ =	shalt  }
0x54: {  	_ =	shalt  }
0x55: {  	_ =	shalt  }
0x56: {  	_ =	shalt  }
0x57: {  	_ =	shalt  }
0x58: {  	_ =	shalt  }
0x59: {  	_ =	shalt  }
0x5a: {  	_ =	shalt  }
0x5b: {  	_ =	shalt  }
0x5c: {  	_ =	shalt  }
0x5d: {  	_ =	shalt  }
0x5e: {  	_ =	shalt  }
0x5f: {  	_ =	shalt  }
0x60: {  	_ =	shalt  }
0x61: {  	_ =	shalt  }
0x62: {  	_ =	shalt  }
0x63: {  	_ =	shalt  }
0x64: {  	_ =	shalt  }
0x65: {  	_ =	shalt  }
0x66: {  	_ =	shalt  }
0x67: {  	_ =	shalt  }
0x68: {  	_ =	shalt  }
0x69: {  	_ =	shalt  }
0x6a: {  	_ =	shalt  }
0x6b: {  	_ =	shalt  }
0x6c: {  	_ =	shalt  }
0x6d: {  	_ =	shalt  }
0x6e: {  	_ =	shalt  }
0x6f: {  	_ =	shalt  }
0x70: {  	_ =	shalt  }
0x71: {  	_ =	shalt  }
0x72: {  	_ =	shalt  }
0x73: {  	_ =	shalt  }
0x74: {  	_ =	shalt  }
0x75: {  	_ =	shalt  }
0x76: {  	_ =	shalt  }
0x77: {  	_ =	shalt  }
0x78: {  	_ =	shalt  }
0x79: {  	_ =	shalt  }
0x7a: {  	_ =	shalt  }
0x7b: {  	_ =	shalt  }
0x7c: {  	_ =	shalt  }
0x7d: {  	_ =	shalt  }
0x7e: {  	_ =	shalt  }
0x7f: {  	_ =	shalt  }
0x80: {  	_ =	shalt  }
0x81: {  	_ =	shalt  }
0x82: {  	_ =	shalt  }
0x83: {  	_ =	shalt  }
0x84: {  	_ =	shalt  }
0x85: {  	_ =	shalt  }
0x86: {  	_ =	shalt  }
0x87: {  	_ =	shalt  }
.Lfunc_end0:
.L_simem_size_0:
called_computation_lowered:
.L_overlay_start_0:
0x88: {  	s2 =	sld [smem:$0x3FD9]  }
0x89: {  	s3 =	sld [smem:$0x3FFE];
	_ =	sdelay $0x1  }
0x8a: {  	s1 =	srdreg.scid  }
0x8b: {  	s0 =	sand.u32 $0x1, s1  }
0x8c: {  	s14 =	sshll.u32 s0, $0xA;
	s2 =	sadd.s32 s3, s2  }
0x8d: {  	s2 =	sadd.s32 s2, s14  }
0x8e: {  	[smem:$0x3FC0] =	sst s2  }
0x8f: {  	_ = 	snop  }
0x90: {  	s2 =	sld [smem:$0x3FD0];
	_ =	sdelay $0x2  }
0x91: {  	s15 =	simm.s32 $0xA;
	s4 =	simm.s32 $0x10  }
0x92: {  	[smem:s4], [sflag:s15] =	dma.local [hbm:s2], $0x1  }
0x93: {  	_ =	swait.eq [sflag:s15], $0x1  }
0x94: {  	[sflag:s15] =	ssyncset.done $0x0  }
0x95: {  	s16 =	sld [smem:$0x10];
	[sflag:s15] =	ssyncadd.s32 $0xFFFFFFFF  }
0x96: {  	s17 =	sld [smem:$0x11];
	(tm) =	ssettm $0x1  }
0x97: {  	s18 =	sld [smem:$0x3FFB];
	_ =	sdelay $0x3  }
0x98: {  	_ =	strace s18  }
0x99: {  	s4 =	sld [smem:$0x3FFC];
	_ =	sdelay $0x3  }
0x9a: {  	_ =	strace s4  }
0x9b: {  	s4 =	sld [smem:$0x3FFD];
	_ =	sdelay $0x3  }
0x9c: {  	_ =	strace s4  }
0x9d: {  	_ =	strace $0x8FFFFFFF  }
0x9e: {  	s19 =	sld [smem:$0x3FDB];
	_ =	sdelay $0x1  }
0x9f: {  	s5 =	simm.s32 $_scs_section_size  }
0xa0: {  	s6 =	simm.s32 $_size__tile_overlayer_lowered;
	s7 =	simm.s32 $_tile_overlayer_lowered  }
0xa1: {  	s22 =	simm.s32 $0x1BFF;
	s21 =	sshll.u32 s7, $0x1;
	s4 =	sadd.s32 s5, s19  }
0xa2: {  	s8 =	simm.s32 $0x0;
	s20 =	sshll.u32 s6, $0x1;
	s6 =	sadd.s32 s21, s4  }
0xa3: {  	[timem:s8], [sflag:s22] =	dma.local [hbm:s6], s20  }
0xa4: {  	_ =	swait.ge [sflag:s22], s20  }
0xa5: {  	s5 =	ssub.s32 $0x0, s20;
	[sflag:s22] =	ssyncset.done $0x0  }
0xa6: {  	[sflag:s22] =	ssyncadd.s32 s5;
	_ =	sdelay $0x1  }
0xa7: {  	s23 =	simm.s32 $0x1B8B  }
0xa8: {  	_ =	swait.ge [sflag:s23], $0x1  }
0xa9: {  	[sflag:s23] =	ssyncset.done $0x0  }
0xaa: {  	s25 =	simm.s32 $0x1B8E;
	s24 =	sld [smem:$0x3FFE];
	[sflag:s23] =	ssyncadd.s32 $0xFFFFFFFF  }
0xab: {  	s26 =	simm.s32 $execute0_lowered;
	[smem:$0x3FD2] =	sst s25  }
0xac: {  	s6 =	sshll.u32 s26, $0x1;
	_ =	strace $0x80000046;
	[dreg:$0x1] =	wrdreg $0xFFFFFFFF  }
0xad: {  	s28 =	simm.s32 $_size_execute0_lowered;
	s4 =	sadd.s32 s4, s6;
	[dreg:$0x0] =	wrdreg $0x0  }
0xae: {  	s6 =	sshll.u32 s28, $0x1;
	[dreg:$0x2] =	wrdreg s4  }
0xaf: {  	[dreg:$0x3] =	wrdreg s6  }
0xb0: {  	[dreg:$0x4] =	wrdreg $0xC0  }
0xb1: {  	_ =	task [dreg:s8], $0x5FFFF  }
0xb2: {  	[dreg:$0x1] =	wrdreg $0xFFFFFFFF  }
0xb3: {  	[dreg:$0x0] =	wrdreg $0x60  }
0xb4: {  	[dreg:$0x2] =	wrdreg s17  }
0xb5: {  	[dreg:$0x3] =	wrdreg s24  }
0xb6: {  	[dreg:$0x4] =	wrdreg s16  }
0xb7: {  	[dreg:$0x5] =	wrdreg $0x134800  }
0xb8: {  	[dreg:$0x6] =	wrdreg $0x134980  }
0xb9: {  	[dreg:$0x7] =	wrdreg $0x134B00  }
0xba: {  	[dreg:$0x8] =	wrdreg $0x9  }
0xbb: {  	_ =	task.clear_ibuf [dreg:s8], $0x9FFFF;
	_ =	strace $0x90000046  }
0xbc: {  	s29 =	simm.s32 $0x9;
	_ =	strace $0x80000048  }
0xbd: {  	_ =	swait.ge [sflag:s29], $0x1  }
0xbe: {  	[sflag:s29] =	ssyncadd.s32 $0xFFFFFFFF  }
0xbf: {  	_ =	strace $0x90000048  }
0xc0: {  	_ =	sfence  }
0xc1: {  	s30 =	sld [smem:$0x0];
	_ =	sdelay $0x2  }
0xc2: {  	s31 =	sshll.u32 s1, $0xD;
	s1 =	sshrl.u32 s1, $0x2  }
0xc3: {  	s3 =	sand.u32 $0x4000, s31;
	s1 =	sadd.s32 s1, s30  }
0xc4: {  	s0 =	sor.u32 s3, s0;
	s1 =	sshll.u32 s1, $0x11  }
0xc5: {  	s0 =	sor.u32 s1, s0  }
0xc6: {  	s0 =	sadd.s32 $0x8F2B, s0  }
0xc7: {  	[sflag:s0] =	ssyncadd.remote.s32 $0x1  }
0xc8: {  	_ =	sfence.sel $0xFFFF  }
0xc9: {  	[dreg:$0x0] =	wrdreg $0xFFFFFFFF;
	(pc) =	sbr.abs _section_cstart, $3  }
0xca: {  	[dreg:$0x1] =	wrdreg $0xFFFFFFFF  }
0xcb: {  	_ =	task.clear_ibuf [dreg:s8], $0x2FFFF;
	_ =	strace $0x9FFFFFFF  }
0xcc: {  	(tm) =	ssettm $0x7FFFFFFF  }
0xcd: {  	_ =	shalt  }
tec
execute0_lowered:
.L_overlay_start_1:
0x0: {  	(tag) =	ssettag $0x1  }
0x1: {  	s9 =	rddreg [dreg:$0x0]  }
0x2: {  	s0 =	rddreg [dreg:$0x1];
	s1 =	srdreg.scid  }
0x3: {  	s10 =	stileid.u32;
	s6 =	rddreg [dreg:$0x5];
	s7 =	simm.s32 $0x0  }
0x4: {  	s30 =	simm.s32 $0x2;
	s14 =	simm.s32 $0x1;
	s1 =	sand.u32 $0x1, s1  }
0x5: {  	s2 =	sshll.u32 s10, $0x1;
	[smem:$0x7FF] =	sst s7;
	s4 =	sadd.s32 $0x5E400, s0  }
0x6: {  	v0 =	vimm.s32 $0xEDCBA987;
	s20 =	sadd.s32 $0x238C00, s0;
	_ =	strace $0x80000047;
	[dreg:$0x7] =	wrdreg s4  }
0x7: {  	v0 =	vunpack.c.l.s4.s8 v0;
	s21 =	sadd.s32 $0x3E00, s0;
	s5 =	sadd.s32 $0x1E00, s0;
	[dreg:$0x8] =	wrdreg s20  }
0x8: {  	v1 =	vimm.s32 $0x65432100;
	s23 =	sadd.s32 $0x1A00, s0;
	s24 =	sadd.s32 $0x1800, s0;
	[dreg:$0x9] =	wrdreg s21  }
0x9: {  	v2 =	vimm.s32 $0xDCBA9876;
	s25 =	sadd.s32 $0x1C00, s0;
	v1 =	vunpack.c.l.s4.s8 v1;
	s16 =	sadd.s32 $0xB8C00, s0;
	[dreg:$0xa] =	wrdreg s5;
	v0 =	vunpack.c.0.s8.s32 v0  }
0xa: {  	s26 =	smul.u32 $0x2D200, s10;
	v2 =	vunpack.c.l.s4.s8 v2;
	s17 =	sadd.s32 $0xE5E00, s0;
	[dreg:$0xb] =	wrdreg s23  }
0xb: {  	s19 =	sadd.s32 $0x265E00, s0;
	p0 =	sne.s32 s10, $0x0;
	[dreg:$0xc] =	wrdreg s24;
	v1 =	vunpack.c.0.s8.s32 v1;
	v3 =	vand.u32 $0xF, v0;
	v0 =	vimm.s32 $0x54321000  }
0xc: {  	v5 =	vimm.s32 $0xE40000;
	s28 =	sshll.u32 s10, $0x7;
	s2 =	sor.u32 s1, s2;
	[dreg:$0xd] =	wrdreg s25;
	v2 =	vunpack.c.0.s8.s32 v2;
	v4 =	vunpack.c.l.s4.s8 v0  }
0xd: {  	v6 =	vimm.s32 $0x32100000;
	s1 =	ssub.s32 $0x2, s1;
	s20 =	sadd.s32 $0xDBDE00, s0;
	s3 =	smul.u32 $0xB480, s2;
	v1 =	vcombine.low v1, v3;
	v3 =	vunpack.c.l.s2.s4 v5  }
0xe: {  	s8 =	sshrl.u32 s1, $0x1;
	s11 =	smul.u32 $0x2D6000, s2;
	s5 =	sshrl.u32 s26, $0x2;
	v5 =	vand.u32 $0xF, v2;
	v2 =	vimm.s32 $0xBA987654;
	v4 =	vunpack.c.0.s8.s32 v4  }
0xf: {  	vm0 =	vmmov $0x3;
	s1 =	ssub.s32 s1, s8;
	s29 =	sadd.s32 s5, s6;
	s12 =	smov.u32 s3;
	v7 =	vunpack.c.l.s4.s8 v2;
	v8 =	vunpack.c.l.s4.s8 v3  }
0x10: {  	vm2 =	vcmask $0x3F30;
	s3 =	sshrl.u32 s3, $0x3;
	[dreg:$0xe] =	wrdreg s11;
	s1 =	smax.u32 s1, $0x1;
	v3 =	vcombine.low v4, v5;
	v4 =	vunpack.c.l.s4.s8 v6  }
0x11: {  	s22 =	sadd.s32 s3, s0;
	[dreg:$0x11] =	wrdreg s1;
	s0 =	sshrl.u32 s29, $0x3;
	v5 =	vunpack.c.0.s8.s32 v7;
	v6 =	vimm.s32 $0x7060504;
	v7 =	vunpack.c.0.s8.s32 v8  }
0x12: {  	vm1 =	vmmov $0xf;
	s10 =	simm.s32 $0xEF00;
	s3 =	sadd.s32 s9, s3;
	[dreg:$0x12] =	wrdreg s0;
	v6 =	vunpack.c.0.s8.s32 v6;
	v4 =	vunpack.c.0.s8.s32 v4  }
0x13: {  	s21 =	simm.s32 $0xA100;
	v0 =	vmov s11;
	s4 =	sadd.s32 $0x31000, s22;
	[dreg:$0x10] =	wrdreg s3;
	v5 =	vand.u32 $0xF, v5;
	v7 =	vand.u32 $0x3, v7  }
0x14: {  	s23 =	sshll.u32 s2, $0x8;
	s31 =	sadd.s32 $0x1690, s3;
	v2 =	vlaneseq.u32;
	[dreg:$0xf] =	wrdreg s4;
	v4 =	vcombine.low v4, v5;
	v5 =	vsel vm2, v6, v7  }
0x15: {  	s11 =	simm.s32 $0x10F00;
	s1 =	simm.s32 $0x0;
	[dreg:$0x13] =	wrdreg s31;
	vm2 =	vmmov $0xff;
	v6 =	vimm.s32 $0x0;
	v7 =	vimm.s32 $0x169  }
.LBB2_1:
0x16: {  	[dreg:$0x14] =	wrdreg s1  }
0x17: {  	s0 =	rddreg [dreg:$0xd];
	s9 =	simm.s32 $0x12F00  }
0x18: {  	[tilespmem:s9], [sflag:$0x2] =	stream.linear.gather [hbm4b:s0+s7], $0x300, $0x38;
	[tilespmem:$0x1E948] =	vst v63  }
0x19: {  	_ =	swait.ge [sflag:s30], $0x300  }
0x1a: {  	[sflag:s30] =	ssyncset.done $0x0  }
0x1b: {  	[sflag:s30] =	ssyncadd.s32 $0xFFFFFD00  }
0x1c: {  	s0 =	rddreg [dreg:$0x3]  }
0x1d: {  	s1 =	simm.s32 @!p0 $0x1C02;
	s2 =	rddreg [dreg:$0xb];
	s0 =	sshrl.u32 @!p0 s0, $0x3  }
0x1e: {  	[spmem:s0], [sflag:s1] =	dma.local @!p0 [hbm:s2], $0x30  }
0x1f: {  	s0 =	simm.s32 @!p0 $0x2  }
0x20: {  	_ =	swait.ge @!p0 [sflag:s0], $0x30  }
0x21: {  	[sflag:s0] =	ssyncset.done @!p0 $0x0  }
0x22: {  	[sflag:s0] =	ssyncadd.s32 @!p0 $0xFFFFFFD0  }
0x23: {  	s2 =	rddreg [dreg:$0x4]  }
0x24: {  	s3 =	rddreg [dreg:$0xc];
	s2 =	sshrl.u32 @!p0 s2, $0x3  }
0x25: {  	[spmem:s2], [sflag:s1] =	dma.local @!p0 [hbm:s3], $0x30  }
0x26: {  	s13 =	stileid.u32;
	_ =	swait.ge @!p0 [sflag:s0], $0x30  }
0x27: {  	s1 =	sshll.u32 s13, $0x6;
	[sflag:s0] =	ssyncset.done @!p0 $0x0;
	s18 =	rddreg [dreg:$0xf]  }
0x28: {  	s15 =	sor.u32 $0x1C02, s1;
	s22 =	rddreg [dreg:$0x12];
	[sflag:s0] =	ssyncadd.s32 @!p0 $0xFFFFFFD0  }
0x29: {  	[spmem:s22], [sflag:s15] =	dma.local [hbm:s18], $0x1690  }
0x2a: {  	_ =	swait.ge [sflag:s30], $0x1690  }
0x2b: {  	[sflag:s30] =	ssyncset.done $0x0  }
0x2c: {  	[sflag:s30] =	ssyncadd.s32 $0xFFFFE970  }
0x2d: {  	[bflag:$0x0] =	sbarrier.arrive $0xFFFF  }
0x2e: {  	s25 =	simm.s32 $0x13400;
	s24 =	rddreg [dreg:$0x10]  }
0x2f: {  	[tilespmem:s25], [sflag:$0x2] =	stream.linear.gather [hbm4b:s24+s7], $0x10, $0x38;
	[tilespmem:$0x1E948] =	vst v63  }
0x30: {  	_ =	swait.ge [sflag:s30], $0x10  }
0x31: {  	[sflag:s30] =	ssyncset.done $0x0  }
0x32: {  	[sflag:s30] =	ssyncadd.s32 $0xFFFFFFF0  }
0x33: {  	v8 =	vld [tilespmem:$0x13400];
	_ =	sdelay $0x4  }
0x34: {  	(v2sf) =	vpush v8, $0x0;
	_ =	sdelay $0xc  }
0x35: {  	s29 =	rddreg [dreg:$0x13]  }
0x36: {  	[tilespmem:s25], [sflag:$0x2] =	stream.linear.gather [hbm4b:s29+s7], $0x10, $0x38;
	[tilespmem:$0x1E948] =	vst v63  }
0x37: {  	s26 =	spop (v2sf)  }
0x38: {  	_ =	swait.ge [sflag:s30], $0x10  }
0x39: {  	[sflag:s30] =	ssyncset.done $0x0  }
0x3a: {  	[sflag:s30] =	ssyncadd.s32 $0xFFFFFFF0  }
0x3b: {  	v9 =	vld [tilespmem:$0x13400];
	_ =	sdelay $0x4  }
0x3c: {  	(v2sf) =	vpush v9, $0x0;
	_ =	sdelay $0xe  }
0x3d: {  	s0 =	sand.u32 $0xFFFFFF80, s26;
	s31 =	spop (v2sf)  }
0x3e: {  	s1 =	ssub.s32 s31, s0  }
0x3f: {  	s1 =	sadd.s32 $0x1FFF, s1  }
0x40: {  	p1 =	sgt.s32 s1, $0x1FFF  }
.Ltmp0:
0x41: {  	_ = 	snop;
	(pc) =	sbr.rel @!p1 .LBB2_6-.Ltmp0, $2  }
0x42: {  	_ =	sdelay $0x2  }
0x43: {  	v8 =	vbroadcast v8, $0x0  }
0x44: {  	s2 =	sshra.s32 s1, $0x1F  }
0x45: {  	s2 =	sshrl.u32 s2, $0x13  }
0x46: {  	s31 =	sadd.s32 s2, s1  }
0x47: {  	s3 =	smov.u32 s0;
	v9 =	vimm.s32 $0x0;
	v10 =	vimm.s32 $0x0;
	s9 =	simm.s32 $0x0;
	s1 =	sshra.s32 s31, $0xD  }
.LBB2_3:
0x48: {  	s5 =	sshll.u32 s9, $0xD  }
0x49: {  	s2 =	sadd.s32 s0, s5  }
0x4a: {  	s4 =	rddreg [dreg:$0x7];
	s2 =	sshrl.u32 s2, $0x3  }
0x4b: {  	s24 =	simm.s32 $0x0;
	s8 =	simm.s32 $0xCF00;
	s2 =	sadd.s32 s4, s2  }
0x4c: {  	[tilespmem:s8], [sflag:$0x2] =	stream.linear.gather [hbm4b:s2+s24], $0x2000, $0x38;
	[tilespmem:$0x1E948] =	vst v63  }
0x4d: {  	_ =	swait.ge [sflag:s30], $0x2000  }
0x4e: {  	[sflag:s30] =	ssyncset.done $0x0  }
0x4f: {  	[sflag:s30] =	ssyncadd.s32 $0xFFFFE000  }
0x50: {  	s26 =	simm.s32 $0x2000;
	s25 =	rddreg [dreg:$0x3]  }
0x51: {  	[tilespmem:s10], [sflag:$0x1] =	stream.indirect.gather [spmem:s25], $0x1, s8, s26, $0xb8;
	[tilespmem:$0x1E948] =	vst v63  }
0x52: {  	s29 =	rddreg [dreg:$0x4]  }
0x53: {  	[tilespmem:s11], [sflag:$0x1] =	stream.indirect.gather [spmem:s29], $0x1, s8, s26, $0xb8;
	[tilespmem:$0x1E948] =	vst v63  }
0x54: {  	_ =	swait.ge [sflag:s14], $0x2000  }
0x55: {  	[sflag:s14] =	ssyncset.done $0x0  }
0x56: {  	[sflag:s14] =	ssyncadd.s32 $0xFFFFE000  }
0x57: {  	_ =	swait.ge [sflag:s14], $0x2000  }
0x58: {  	[sflag:s14] =	ssyncset.done $0x0  }
0x59: {  	s31 =	simm.s32 $0x0;
	[sflag:s14] =	ssyncadd.s32 $0xFFFFE000  }
0x5a: {  	v11 =	vld [tilespmem:s31+$0xEF00]  }
0x5b: {  	v12 =	vld [tilespmem:s31+$0x10F00];
	_ =	sdelay $0x1  }
0x5c: {  	v13 =	vor.u32 s3, v2  }
0x5d: {  	vm3 =	vlt.s32 v13, v8  }
0x5e: {  	v11 =	vsel vm3, $0x0, v11  }
0x5f: {  	v12 =	vsel vm3, $0x0, v12;
	v61 =	vperm.xlane v11, v1  }
0x60: {  	vm3 =	veq.s32 v2, $0x0;
	v14 =	vperm.xlane v12, v1  }
0x61: {  	v13 =	vsel vm3, $0x0, v61  }
0x62: {  	v62 =	vsel vm3, $0x0, v14;
	v11 =	vxor.u32 v11, v13  }
0x63: {  	v12 =	vxor.u32 v12, v62;
	v63 =	vperm.xlane v11, v3  }
0x64: {  	v13 =	vperm.xlane v12, v3  }
0x65: {  	v14 =	vsel vm0, $0x0, v63  }
0x66: {  	v13 =	vsel vm0, $0x0, v13;
	v11 =	vxor.u32 v11, v14  }
0x67: {  	v12 =	vxor.u32 v12, v13;
	v14 =	vperm.xlane v11, v4  }
0x68: {  	v13 =	vperm.xlane v12, v4  }
0x69: {  	v14 =	vsel vm1, $0x0, v14  }
0x6a: {  	v13 =	vsel vm1, $0x0, v13;
	v11 =	vxor.u32 v11, v14  }
0x6b: {  	v12 =	vxor.u32 v12, v13;
	v14 =	vperm.xlane v11, v5  }
0x6c: {  	v13 =	vperm.xlane v12, v5  }
0x6d: {  	v14 =	vsel vm2, $0x0, v14  }
0x6e: {  	v13 =	vsel vm2, $0x0, v13;
	v10 =	vxor.u32 v14, v10  }
0x6f: {  	v9 =	vxor.u32 v13, v9;
	v10 =	vxor.u32 v11, v10  }
0x70: {  	s13 =	simm.s32 $0x10;
	v12 =	vxor.u32 v12, v9;
	[tilespmem:s31+$0xEF00] =	vst v10  }
0x71: {  	s4 =	smov.u32 s3;
	s2 =	simm.s32 $0x80;
	v9 =	vbroadcast v10, $0xF;
	v10 =	vbroadcast v12, $0xF;
	v11 =	vld [tilespmem:s13+$0xEF00];
	[tilespmem:s31+$0x10F00] =	vst v12  }
.LBB2_4:
0x72: {  	p1 =	sne.s32 s2, $0x7FC0;
	v12 =	vld [tilespmem:s13+$0x10F00]  }
0x73: {  	s4 =	sadd.s32 $0x10, s4  }
0x74: {  	v13 =	vor.u32 s4, v2  }
0x75: {  	vm4 =	vlt.s32 v13, v8  }
0x76: {  	v11 =	vsel vm4, $0x0, v11  }
0x77: {  	v12 =	vsel vm4, $0x0, v12;
	v13 =	vperm.xlane v11, v1  }
0x78: {  	v14 =	vperm.xlane v12, v1  }
0x79: {  	v13 =	vsel vm3, $0x0, v13  }
0x7a: {  	v11 =	vxor.u32 v11, v13;
	v13 =	vsel vm3, $0x0, v14  }
0x7b: {  	v12 =	vxor.u32 v12, v13;
	v13 =	vperm.xlane v11, v3  }
0x7c: {  	v14 =	vperm.xlane v12, v3  }
0x7d: {  	v13 =	vsel vm0, $0x0, v13  }
0x7e: {  	v11 =	vxor.u32 v11, v13;
	v13 =	vsel vm0, $0x0, v14  }
0x7f: {  	v12 =	vxor.u32 v12, v13;
	v13 =	vperm.xlane v11, v4  }
0x80: {  	v14 =	vperm.xlane v12, v4  }
0x81: {  	v13 =	vsel vm1, $0x0, v13  }
0x82: {  	v11 =	vxor.u32 v11, v13;
	v13 =	vsel vm1, $0x0, v14  }
0x83: {  	v12 =	vxor.u32 v12, v13;
	v13 =	vperm.xlane v11, v5  }
0x84: {  	v14 =	vperm.xlane v12, v5  }
.Ltmp1:
0x85: {  	v13 =	vsel vm2, $0x0, v13;
	(pc) =	sbr.rel @p1 .LBB2_4-.Ltmp1, $4  }
0x86: {  	v14 =	vsel vm2, $0x0, v14;
	v9 =	vxor.u32 v13, v9  }
0x87: {  	v9 =	vxor.u32 v11, v9;
	v10 =	vxor.u32 v14, v10  }
0x88: {  	s8 =	sshra.s32 s2, $0x2;
	v10 =	vxor.u32 v12, v10;
	[tilespmem:s13+$0xEF00] =	vst v9;
	v9 =	vbroadcast v9, $0xF  }
0x89: {  	s2 =	sadd.s32 $0x40, s2;
	v11 =	vld [tilespmem:s8+$0xEF00];
	[tilespmem:s13+$0x10F00] =	vst v10;
	v10 =	vbroadcast v10, $0xF;
	s13 =	smov.u32 s8  }
0x8a: {  	v12 =	vld [tilespmem:s13+$0x10F00]  }
0x8b: {  	s2 =	sadd.s32 $0x10, s4  }
0x8c: {  	v13 =	vor.u32 s2, v2  }
0x8d: {  	vm3 =	vlt.s32 v13, v8  }
0x8e: {  	v11 =	vsel vm3, $0x0, v11  }
0x8f: {  	v12 =	vsel vm3, $0x0, v12;
	v54 =	vperm.xlane v11, v1  }
0x90: {  	vm3 =	veq.s32 v2, $0x0;
	v14 =	vperm.xlane v12, v1  }
0x91: {  	v13 =	vsel vm3, $0x0, v54  }
0x92: {  	v11 =	vxor.u32 v11, v13;
	v55 =	vsel vm3, $0x0, v14  }
0x93: {  	v12 =	vxor.u32 v12, v55;
	v56 =	vperm.xlane v11, v3  }
0x94: {  	v57 =	vperm.xlane v12, v3  }
0x95: {  	v13 =	vsel vm0, $0x0, v56  }
0x96: {  	v11 =	vxor.u32 v11, v13;
	v58 =	vsel vm0, $0x0, v57  }
0x97: {  	v12 =	vxor.u32 v12, v58;
	v59 =	vperm.xlane v11, v4  }
0x98: {  	v60 =	vperm.xlane v12, v4  }
0x99: {  	v13 =	vsel vm1, $0x0, v59  }
0x9a: {  	v11 =	vxor.u32 v11, v13;
	v61 =	vsel vm1, $0x0, v60  }
0x9b: {  	v12 =	vxor.u32 v12, v61;
	v62 =	vperm.xlane v11, v5  }
0x9c: {  	v63 =	vperm.xlane v12, v5  }
0x9d: {  	v13 =	vsel vm2, $0x0, v62  }
0x9e: {  	s29 =	rddreg [dreg:$0xe];
	v14 =	vsel vm2, $0x0, v63;
	v9 =	vxor.u32 v13, v9  }
0x9f: {  	s2 =	sadd.s32 s29, s5;
	v9 =	vxor.u32 v11, v9;
	v10 =	vxor.u32 v14, v10  }
0xa0: {  	s2 =	sshrl.u32 s2, $0x3;
	v11 =	vxor.u32 v12, v10;
	[tilespmem:s13+$0xEF00] =	vst v9  }
0xa1: {  	s31 =	sadd.s32 s19, s2;
	[tilespmem:s13+$0x10F00] =	vst v11  }
0xa2: {  	[hbm4b:s31+s7] =	stream.linear.scatter [tilespmem:s10], [sflag:$0x2], $0x2000, $0x38;
	[tilespmem:$0x1E948] =	vst v63  }
0xa3: {  	s9 =	sadd.s32 $0x1, s9;
	_ =	swait.ge [sflag:s30], $0x2000  }
0xa4: {  	p1 =	seq.s32 s9, s1;
	[sflag:s30] =	ssyncset.done $0x0  }
.Ltmp2:
0xa5: {  	s2 =	sadd.s32 s20, s2;
	[sflag:s30] =	ssyncadd.s32 $0xFFFFE000;
	(pc) =	sbr.rel @!p1 .LBB2_3-.Ltmp2, $4  }
0xa6: {  	[hbm4b:s2+s7] =	stream.linear.scatter [tilespmem:s11], [sflag:$0x2], $0x2000, $0x38;
	[tilespmem:$0x1E948] =	vst v63  }
0xa7: {  	_ =	swait.ge [sflag:s30], $0x2000  }
0xa8: {  	[sflag:s30] =	ssyncset.done $0x0  }
0xa9: {  	s3 =	sadd.s32 $0x2000, s3;
	v10 =	vbroadcast v9, $0xF;
	v9 =	vbroadcast v11, $0xF;
	[sflag:s30] =	ssyncadd.s32 $0xFFFFE000  }
.LBB2_6:
0xaa: {  	v9 =	vmov s0  }
0xab: {  	v9 =	vxor.u32 $0xFFFFFFFF, v9  }
0xac: {  	s3 =	simm.s32 $0x0;
	s0 =	simm.s32 $0x0;
	v9 =	vbroadcast v9, $0x0  }
.LBB2_7:
0xad: {  	s1 =	smul.u32 $0x1690, s0;
	_ =	sdelay $0x1  }
0xae: {  	s1 =	sadd.s32 s12, s1  }
0xaf: {  	s2 =	rddreg [dreg:$0x0];
	s1 =	sshrl.u32 s1, $0x3  }
0xb0: {  	s2 =	sadd.s32 s2, s1  }
0xb1: {  	[tilespmem:s3], [sflag:$0x2] =	stream.linear.gather [hbm4b:s2+s3], $0x1700, $0x38;
	[tilespmem:$0x1E948] =	vst v63  }
0xb2: {  	_ =	swait.ge [sflag:s30], $0x1700  }
0xb3: {  	[sflag:s30] =	ssyncset.done $0x0;
	s22 =	rddreg [dreg:$0x8]  }
0xb4: {  	s4 =	simm.s32 $0x8A00;
	[sflag:s30] =	ssyncadd.s32 $0xFFFFE900;
	s2 =	sadd.s32 s22, s1  }
0xb5: {  	[tilespmem:s4], [sflag:$0x2] =	stream.linear.gather [hbm4b:s2+s3], $0x1690, $0x38;
	[tilespmem:$0x1E948] =	vst v63  }
0xb6: {  	_ =	swait.ge [sflag:s30], $0x1690  }
0xb7: {  	[sflag:s30] =	ssyncset.done $0x0;
	s24 =	rddreg [dreg:$0x9]  }
0xb8: {  	[sflag:s30] =	ssyncadd.s32 $0xFFFFE970;
	s2 =	sadd.s32 s24, s1  }
0xb9: {  	[tilespmem:s21], [sflag:$0x2] =	stream.linear.gather [hbm4b:s2+s3], $0x1690, $0x38;
	[tilespmem:$0x1E948] =	vst v63  }
0xba: {  	_ =	swait.ge [sflag:s30], $0x1690  }
0xbb: {  	[sflag:s30] =	ssyncset.done $0x0  }
0xbc: {  	s25 =	sshll.u32 s0, $0x5;
	[sflag:s30] =	ssyncadd.s32 $0xFFFFE970  }
0xbd: {  	s2 =	sadd.s32 s23, s25;
	s26 =	rddreg [dreg:$0x2]  }
0xbe: {  	s5 =	simm.s32 $0x13200;
	s4 =	sadd.s32 s26, s2  }
0xbf: {  	[tilespmem:s5], [sflag:$0x2] =	stream.linear.gather [hbm4b:s4+s3], $0x100, $0x38;
	[tilespmem:$0x1E948] =	vst v63  }
0xc0: {  	_ =	swait.ge [sflag:s30], $0x100  }
0xc1: {  	[sflag:s30] =	ssyncset.done $0x0;
	s29 =	rddreg [dreg:$0xa]  }
0xc2: {  	s31 =	simm.s32 $0x13300;
	[sflag:s30] =	ssyncadd.s32 $0xFFFFFF00;
	s2 =	sadd.s32 s29, s2  }
0xc3: {  	[tilespmem:s31], [sflag:$0x2] =	stream.linear.gather [hbm4b:s2+s3], $0x100, $0x38;
	[tilespmem:$0x1E948] =	vst v63  }
0xc4: {  	_ =	swait.ge [sflag:s30], $0x100  }
0xc5: {  	[sflag:s30] =	ssyncset.done $0x0  }
0xc6: {  	s2 =	simm.s32 $0x0;
	[sflag:s30] =	ssyncadd.s32 $0xFFFFFF00  }
0xc7: {  	v10 =	vld [tilespmem:s2+$0x0];
	_ =	sdelay $0x2  }
0xc8: {  	s4 =	simm.s32 $0x40  }
.LBB2_8:
0xc9: {  	p1 =	sne.s32 s4, $0x5BC0  }
.Ltmp3:
0xca: {  	s5 =	sshra.s32 s4, $0x2;
	s4 =	sadd.s32 $0x40, s4;
	v11 =	vadd.s32 v9, v10;
	(pc) =	sbr.rel @p1 .LBB2_8-.Ltmp3, $4  }
0xcb: {  	v10 =	vld [tilespmem:s5+$0x0];
	vm3 =	vgt.s32 v11, $0x0  }
0xcc: {  	v11 =	vnsel vm3, $0x0, v11  }
0xcd: {  	v11 =	vadd.s32 v0, v11  }
0xce: {  	[tilespmem:s2+$0x1700] =	vst v11;
	s2 =	smov.u32 s5  }
0xcf: {  	_ = 	snop  }
0xd0: {  	v10 =	vadd.s32 v9, v10  }
0xd1: {  	vm3 =	vgt.s32 v10, $0x0  }
0xd2: {  	v10 =	vnsel vm3, $0x0, v10  }
0xd3: {  	v10 =	vadd.s32 v0, v10  }
0xd4: {  	s18 =	simm.s32 $0x1700;
	s25 =	simm.s32 $0x2E00;
	[tilespmem:s2+$0x1700] =	vst v10  }
0xd5: {  	[tilespmem:s25], [sflag:$0x1] =	stream.indirect.gather [hbm4b:s19+s18], $0x1, s18, s18, $0xb8;
	[tilespmem:$0x1E948] =	vst v63  }
0xd6: {  	s29 =	simm.s32 $0x4500;
	s5 =	simm.s32 $0x1  }
0xd7: {  	[tilespmem:s29], [sflag:$0x1] =	stream.indirect.gather [hbm4b:s20+s18], $0x1, s18, s18, $0xb8;
	[tilespmem:$0x1E948] =	vst v63  }
0xd8: {  	_ =	swait.ge [sflag:s5], $0x1700  }
0xd9: {  	s26 =	sshll.u32 s0, $0x4;
	[sflag:s5] =	ssyncset.done $0x0  }
0xda: {  	s13 =	simm.s32 $0x0;
	s15 =	simm.s32 $0x2E01;
	[sflag:s5] =	ssyncadd.s32 $0xFFFFE900  }
0xdb: {  	s24 =	simm.s32 $0x8A00;
	s31 =	simm.s32 $0xB800;
	_ =	swait.ge [sflag:s5], $0x1700  }
0xdc: {  	s22 =	simm.s32 $0x7300;
	s9 =	sadd.s32 s28, s26;
	[sflag:s5] =	ssyncset.done $0x0  }
0xdd: {  	s26 =	simm.s32 $0x5C00;
	s25 =	simm.s32 $0xA100;
	[sflag:s5] =	ssyncadd.s32 $0xFFFFE900  }
.LBB2_10:
0xde: {  	s2 =	sshll.u32 s13, $0x4  }
0xdf: {  	v14 =	vld [tilespmem:s2+$0x13200];
	_ =	sdelay $0x4  }
0xe0: {  	(v2sf) =	vpush v14, $0x0;
	_ =	sdelay $0x9  }
0xe1: {  	v11 =	vmov s25  }
0xe2: {  	v12 =	vmov s29  }
0xe3: {  	v15 =	vmov s5;
	_ =	sdelay $0x1  }
0xe4: {  	s8 =	simm.s32 $0x0  }
0xe5: {  	v13 =	vmov s15;
	v21 =	vld.idx.msk [tilespmem:v11+s8+$0x0 ss:$0x1], $0xffff;
	s4 =	spop (v2sf)  }
0xe6: {  	v22 =	vld.idx.msk [tilespmem:v12+s8+$0x1 ss:$0x1], $0xffff;
	s4 =	smul.u32 $0x5A4, s4  }
0xe7: {  	v16 =	vmov s24;
	v25 =	vld.idx.msk [tilespmem:v15+s8+$0xFFFFFFFF ss:$0x1], $0xffff  }
0xe8: {  	v26 =	vld.idx.msk [tilespmem:v15+s8+$0x0 ss:$0x1], $0xffff;
	s4 =	sshra.s32 s4, $0x2  }
0xe9: {  	v27 =	vld.idx.msk [tilespmem:v12+s8+$0x0 ss:$0x1], $0xffff;
	s11 =	sadd.s32 $0x12F00, s4  }
0xea: {  	v24 =	vld.idx.msk [tilespmem:v13+s8+$0xFFFFFFFF ss:$0x1], $0xffff;
	v20 =	vmov s11  }
0xeb: {  	v23 =	vld.idx.msk [tilespmem:v13+s8+$0x0 ss:$0x1], $0xffff  }
0xec: {  	v28 =	vld.idx.msk [tilespmem:v16+s8+$0x0 ss:$0x1], $0xffff  }
0xed: {  	s10 =	sadd.s32 s9, s13;
	v17 =	vmov s31;
	vm4 =	veq.s32 v25, v8;
	vm6 =	veq.s32 v26, v8  }
0xee: {  	v18 =	vmov s26;
	s10 =	smul.u32 $0x169, s10;
	v63 =	vsel vm4, $0x0, v27;
	v22 =	vsel vm6, $0x0, v22  }
0xef: {  	vm5 =	vne.s32 v21, $0x0;
	v21 =	vsel vm4, $0x0, v24;
	v24 =	vxor.u32 v63, v22;
	v22 =	vld.idx.msk [tilespmem:v20+s8+$0x0 ss:$0x1], $0xffff  }
0xf0: {  	v19 =	vmov s22;
	s10 =	sadd.s32 $0xB4, s10;
	vm3 =	veq.s32 v14, $0x0;
	v14 =	vld [tilespmem:s2+$0x13300];
	v23 =	vsel vm6, $0x0, v23  }
0xf1: {  	v10 =	vmov s10;
	vm4 =	vne.s32 v28, $0x0;
	v23 =	vxor.u32 v21, v23  }
0xf2: {  	s10 =	simm.s32 $0x40;
	s2 =	smul.u32 $0x169, s13;
	v21 =	vmov s18;
	vm4 =	vmand vm4, vm5;
	v23 =	vsel vm3, v23, v24  }
.LBB2_11:
0xf3: {  	p1 =	sne.s32 s10, $0x540;
	v23 =	vnsel vm4, $0x0, v23;
	s11 =	smov.u32 s10;
	s10 =	sadd.s32 $0x40, s10  }
0xf4: {  	v22 =	vxor.u32 v23, v22  }
0xf5: {  	v22 =	vxor.u32 v14, v22  }
0xf6: {  	[tilespmem:v17+s8+$0x0 ss:$0x1] =	vst.idx.msk $0xffff, v22  }
0xf7: {  	[tilespmem:v18+s8+$0x0 ss:$0x1] =	vst.idx.msk $0xffff, v6  }
0xf8: {  	[tilespmem:v19+s8+$0x0 ss:$0x1] =	vst.idx.msk $0xffff, v7  }
0xf9: {  	[tilespmem:v21+s8+$0x0 ss:$0x1] =	vst.idx.msk $0xffff, v10;
	s8 =	sshra.s32 s11, $0x2  }
0xfa: {  	v23 =	vld.idx.msk [tilespmem:v11+s8+$0x0 ss:$0x1], $0xffff  }
0xfb: {  	v24 =	vld.idx.msk [tilespmem:v12+s8+$0x1 ss:$0x1], $0xffff  }
0xfc: {  	v25 =	vld.idx.msk [tilespmem:v13+s8+$0x0 ss:$0x1], $0xffff  }
0xfd: {  	v26 =	vld.idx.msk [tilespmem:v12+s8+$0x0 ss:$0x1], $0xffff  }
0xfe: {  	v27 =	vld.idx.msk [tilespmem:v13+s8+$0xFFFFFFFF ss:$0x1], $0xffff  }
0xff: {  	v28 =	vld.idx.msk [tilespmem:v15+s8+$0xFFFFFFFF ss:$0x1], $0xffff  }
0x100: {  	v29 =	vld.idx.msk [tilespmem:v15+s8+$0x0 ss:$0x1], $0xffff  }
0x101: {  	v30 =	vld.idx.msk [tilespmem:v16+s8+$0x0 ss:$0x1], $0xffff;
	_ =	sdelay $0x2  }
0x102: {  	v22 =	vld.idx.msk [tilespmem:v20+s8+$0x0 ss:$0x1], $0xffff  }
.Ltmp4:
0x103: {  	vm5 =	vne.s32 v23, $0x0;
	vm4 =	veq.s32 v28, v8;
	(pc) =	sbr.rel @p1 .LBB2_11-.Ltmp4, $4  }
0x104: {  	v23 =	vsel vm4, $0x0, v27;
	vm6 =	veq.s32 v29, v8;
	v26 =	vsel vm4, $0x0, v26  }
0x105: {  	v25 =	vsel vm6, $0x0, v25;
	v24 =	vsel vm6, $0x0, v24;
	vm4 =	vne.s32 v30, $0x0  }
0x106: {  	v23 =	vxor.u32 v23, v25;
	v24 =	vxor.u32 v26, v24;
	vm4 =	vmand vm4, vm5  }
0x107: {  	v23 =	vsel vm3, v23, v24  }
0x108: {  	_ = 	snop  }
0x109: {  	v11 =	vnsel vm4, $0x0, v23  }
0x10a: {  	v11 =	vxor.u32 v11, v22  }
0x10b: {  	v11 =	vxor.u32 v14, v11  }
0x10c: {  	[tilespmem:v17+s8+$0x0 ss:$0x1] =	vst.idx.msk $0xffff, v11  }
0x10d: {  	[tilespmem:v18+s8+$0x0 ss:$0x1] =	vst.idx.msk $0xffff, v6  }
0x10e: {  	[tilespmem:v19+s8+$0x0 ss:$0x1] =	vst.idx.msk $0xffff, v7  }
0x10f: {  	[tilespmem:v21+s8+$0x0 ss:$0x1] =	vst.idx.msk $0xffff, v10  }
0x110: {  	v11 =	vld [tilespmem:s2+$0x159]  }
0x111: {  	v12 =	vld [tilespmem:s2+$0x15A]  }
0x112: {  	v13 =	vld [tilespmem:s2+$0x2F59]  }
0x113: {  	v15 =	vld [tilespmem:s2+$0x2F5A]  }
0x114: {  	v16 =	vld [tilespmem:s2+$0x4659]  }
0x115: {  	v18 =	vld [tilespmem:s2+$0x8B59]  }
0x116: {  	v17 =	vld [tilespmem:s2+$0x465A]  }
0x117: {  	v19 =	vld [tilespmem:s2+$0xA259];
	_ =	sdelay $0x1  }
0x118: {  	vm13 =	veq.s32 v11, v8  }
0x119: {  	v61 =	vld [tilespmem:s4+$0x13059];
	vm5 =	veq.s32 v12, v8;
	vm14 =	vne.s32 v18, $0x0;
	v11 =	vsel vm13, $0x0, v13  }
0x11a: {  	s13 =	sadd.s32 $0x1, s13;
	v12 =	vsel vm5, $0x0, v15;
	v62 =	vsel vm13, $0x0, v16;
	v63 =	vsel vm5, $0x0, v17  }
0x11b: {  	p1 =	seq.s32 s13, $0x10;
	vm15 =	vne.s32 v19, $0x0;
	v11 =	vxor.u32 v11, v12;
	v12 =	vxor.u32 v62, v63  }
.Ltmp5:
0x11c: {  	v11 =	vsel vm3, v11, v12;
	vm3 =	vmand vm14, vm15;
	(pc) =	sbr.rel @!p1 .LBB2_10-.Ltmp5, $4  }
0x11d: {  	[tilespmem:s2+$0x5D59] =	vst v6;
	v11 =	vnsel vm3, $0x0, v11  }
0x11e: {  	s15 =	sadd.s32 $0x169, s15;
	s29 =	sadd.s32 $0x169, s29;
	s24 =	sadd.s32 $0x169, s24;
	[tilespmem:s2+$0x7459] =	vst v7;
	v11 =	vxor.u32 v11, v61  }
0x11f: {  	s25 =	sadd.s32 $0x169, s25;
	s31 =	sadd.s32 $0x169, s31;
	s26 =	sadd.s32 $0x169, s26;
	[tilespmem:s2+$0x1859] =	vst v10;
	v11 =	vxor.u32 v14, v11  }
0x120: {  	s22 =	sadd.s32 $0x169, s22;
	s18 =	sadd.s32 $0x169, s18;
	s5 =	sadd.s32 $0x169, s5;
	[tilespmem:s2+$0xB959] =	vst v11  }
0x121: {  	[tilespmem:$0x7290] =	vst v6  }
0x122: {  	[tilespmem:$0x8990] =	vst v7  }
0x123: {  	[tilespmem:$0x72A0] =	vst v6  }
0x124: {  	[tilespmem:$0x89A0] =	vst v7  }
0x125: {  	[tilespmem:$0x72B0] =	vst v6  }
0x126: {  	[tilespmem:$0x89B0] =	vst v7  }
0x127: {  	[tilespmem:$0x72C0] =	vst v6  }
0x128: {  	[tilespmem:$0x89C0] =	vst v7  }
0x129: {  	[tilespmem:$0x72D0] =	vst v6  }
0x12a: {  	[tilespmem:$0x89D0] =	vst v7  }
0x12b: {  	s2 =	smul.u32 $0x169, s9;
	[tilespmem:$0x72E0] =	vst v6  }
0x12c: {  	[tilespmem:$0x89E0] =	vst v7  }
0x12d: {  	[tilespmem:$0x72F0] =	vst v6;
	s2 =	sadd.s32 $0x1744, s2  }
0x12e: {  	[tilespmem:$0x89F0] =	vst v7;
	v10 =	vmov s2  }
0x12f: {  	[tilespmem:$0x2D90] =	vst v10  }
0x130: {  	[tilespmem:$0x2DA0] =	vst v10  }
0x131: {  	[tilespmem:$0x2DB0] =	vst v10  }
0x132: {  	[tilespmem:$0x2DC0] =	vst v10  }
0x133: {  	[tilespmem:$0x2DD0] =	vst v10  }
0x134: {  	[tilespmem:$0x2DE0] =	vst v10  }
0x135: {  	s5 =	simm.s32 $0x0;
	s11 =	simm.s32 $0x10F00;
	[tilespmem:$0x2DF0] =	vst v10;
	v10 =	vmov s9;
	s9 =	simm.s32 $0x0  }
.LBB2_14:
0x136: {  	s13 =	simm.s32 $0x1700;
	s2 =	simm.s32 $0xA100  }
0x137: {  	[tilespmem:s2], [sflag:$0x1] =	stream.indirect.gather [spmem:s6], $0x1, s13, s13, $0xb8;
	[tilespmem:$0x1E948] =	vst v63  }
0x138: {  	_ =	swait.ge [sflag:s14], $0x1700  }
0x139: {  	[sflag:s14] =	ssyncset.done $0x0  }
0x13a: {  	s4 =	simm.s32 $0x5C00;
	[sflag:s14] =	ssyncadd.s32 $0xFFFFE900  }
0x13b: {  	v11 =	vld [tilespmem:s4+$0x0]  }
0x13c: {  	s8 =	simm.s32 $0x7300;
	v12 =	vld [tilespmem:s2+$0x0]  }
0x13d: {  	s31 =	simm.s32 $0xB800;
	v13 =	vld [tilespmem:s8+$0x0]  }
0x13e: {  	v14 =	vld [tilespmem:s31+$0x0]  }
0x13f: {  	v15 =	vor.u32 s5, v2  }
0x140: {  	v16 =	vmulhi.u32 $0x6B1490AB, v15;
	_ =	sdelay $0x1  }
0x141: {  	v15 =	vsub.s32 v15, v16;
	v17 =	vadd.s32 v11, v13;
	vm3 =	vlt.s32 v11, v13  }
0x142: {  	vm4 =	vge.s32 v12, v14;
	vm5 =	vlt.s32 v12, v14;
	v17 =	vshra.s32 v17, $0x1  }
0x143: {  	vm5 =	vmand vm3, vm5;
	vm3 =	vmand vm3, vm4;
	v12 =	vadd.s32 $0x1, v17  }
0x144: {  	v11 =	vsel vm5, v12, v11;
	v12 =	vsel vm3, v17, v13;
	v13 =	vshrl.u32 v15, $0x1  }
0x145: {  	v13 =	vadd.s32 v16, v13;
	v14 =	vadd.s32 v12, v11  }
0x146: {  	v13 =	vshrl.u32 v13, $0x8;
	v14 =	vshra.s32 v14, $0x1  }
0x147: {  	v13 =	vadd.s32 v10, v13;
	vm3 =	vgt.s32 v14, $0x0  }
0x148: {  	v13 =	vmul.u32 $0x169, v13;
	v14 =	vnsel vm3, $0x0, v14  }
0x149: {  	[tilespmem:s4+$0x0] =	vst v11;
	v11 =	vmin.u32 v14, $0x168  }
0x14a: {  	[tilespmem:s8+$0x0] =	vst v12;
	v11 =	vadd.s32 v13, v11  }
0x14b: {  	s2 =	simm.s32 $0x5C10;
	[tilespmem:s13+$0x0] =	vst v11  }
0x14c: {  	s8 =	simm.s32 $0xA110;
	v11 =	vld [tilespmem:s2+$0x0]  }
0x14d: {  	s4 =	simm.s32 $0x7310;
	v13 =	vld [tilespmem:s8+$0x0]  }
0x14e: {  	s15 =	simm.s32 $0x10;
	s10 =	simm.s32 $0x20;
	s18 =	simm.s32 $0xB810;
	v12 =	vld [tilespmem:s4+$0x0]  }
.LBB2_15:
0x14f: {  	p1 =	sne.s32 s10, $0x16F0;
	v14 =	vld [tilespmem:s18+$0x0]  }
0x150: {  	v15 =	vor.u32 s15, v2;
	s15 =	smov.u32 s10  }
0x151: {  	v16 =	vmulhi.u32 $0x6B1490AB, v15;
	_ =	sdelay $0x1  }
0x152: {  	v15 =	vsub.s32 v15, v16;
	v17 =	vadd.s32 v11, v12;
	vm3 =	vlt.s32 v11, v12  }
0x153: {  	v17 =	vshra.s32 v17, $0x1;
	vm4 =	vge.s32 v13, v14;
	vm5 =	vlt.s32 v13, v14  }
0x154: {  	vm5 =	vmand vm3, vm5;
	v13 =	vadd.s32 $0x1, v17;
	vm3 =	vmand vm3, vm4  }
0x155: {  	v11 =	vsel vm5, v13, v11;
	v12 =	vsel vm3, v17, v12;
	v13 =	vshrl.u32 v15, $0x1  }
0x156: {  	v13 =	vadd.s32 v16, v13;
	v14 =	vadd.s32 v12, v11  }
0x157: {  	v13 =	vshrl.u32 v13, $0x8;
	v14 =	vshra.s32 v14, $0x1  }
0x158: {  	v13 =	vadd.s32 v10, v13;
	vm3 =	vgt.s32 v14, $0x0  }
0x159: {  	v13 =	vmul.u32 $0x169, v13;
	v14 =	vnsel vm3, $0x0, v14  }
0x15a: {  	[tilespmem:s2+$0x0] =	vst v11;
	v11 =	vmin.u32 v14, $0x168  }
.Ltmp6:
0x15b: {  	s13 =	sadd.s32 $0x10, s13;
	[tilespmem:s4+$0x0] =	vst v12;
	v11 =	vadd.s32 v13, v11;
	(pc) =	sbr.rel @p1 .LBB2_15-.Ltmp6, $4  }
0x15c: {  	s2 =	sadd.s32 $0x10, s2;
	[tilespmem:s13+$0x0] =	vst v11  }
0x15d: {  	s8 =	sadd.s32 $0x10, s8;
	v11 =	vld [tilespmem:s2+$0x0]  }
0x15e: {  	s4 =	sadd.s32 $0x10, s4;
	v13 =	vld [tilespmem:s8+$0x0]  }
0x15f: {  	s10 =	sadd.s32 $0x10, s10;
	s18 =	sadd.s32 $0x10, s18;
	v12 =	vld [tilespmem:s4+$0x0]  }
0x160: {  	v14 =	vld [tilespmem:s18+$0x0]  }
0x161: {  	v15 =	vor.u32 s15, v2  }
0x162: {  	v16 =	vmulhi.u32 $0x6B1490AB, v15;
	_ =	sdelay $0x1  }
0x163: {  	v15 =	vsub.s32 v15, v16;
	v17 =	vadd.s32 v11, v12;
	vm3 =	vlt.s32 v11, v12  }
0x164: {  	v17 =	vshra.s32 v17, $0x1;
	vm4 =	vge.s32 v13, v14;
	vm5 =	vlt.s32 v13, v14  }
0x165: {  	vm5 =	vmand vm3, vm5;
	v60 =	vadd.s32 $0x1, v17;
	vm3 =	vmand vm3, vm4  }
0x166: {  	v62 =	vshrl.u32 v15, $0x1;
	v11 =	vsel vm5, v60, v11;
	v61 =	vsel vm3, v17, v12  }
0x167: {  	s9 =	sadd.s32 $0x1, s9;
	v13 =	vadd.s32 v16, v62;
	v63 =	vadd.s32 v61, v11  }
0x168: {  	p1 =	sne.s32 s9, $0x9;
	v13 =	vshrl.u32 v13, $0x8;
	v14 =	vshra.s32 v63, $0x1  }
.Ltmp7:
0x169: {  	v13 =	vadd.s32 v10, v13;
	vm3 =	vgt.s32 v14, $0x0;
	(pc) =	sbr.rel @p1 .LBB2_14-.Ltmp7, $4  }
0x16a: {  	v13 =	vmul.u32 $0x169, v13;
	v14 =	vnsel vm3, $0x0, v14  }
0x16b: {  	[tilespmem:s2+$0x0] =	vst v11;
	v11 =	vmin.u32 v14, $0x168  }
0x16c: {  	s31 =	sadd.s32 $0x10, s13;
	[tilespmem:s4+$0x0] =	vst v61;
	v11 =	vadd.s32 v13, v11  }
0x16d: {  	[tilespmem:s31+$0x0] =	vst v11  }
0x16e: {  	s2 =	simm.s32 $0x1700  }
0x16f: {  	[tilespmem:s21], [sflag:$0x1] =	stream.indirect.gather [spmem:s6], $0x1, s2, s2, $0xb8;
	[tilespmem:$0x1E948] =	vst v63  }
0x170: {  	_ =	swait.ge [sflag:s14], $0x1700  }
0x171: {  	[sflag:s14] =	ssyncset.done $0x0  }
0x172: {  	s2 =	simm.s32 $0x0;
	[sflag:s14] =	ssyncadd.s32 $0xFFFFE900  }
0x173: {  	v10 =	vld [tilespmem:s2+$0x5C00]  }
0x174: {  	v12 =	vld [tilespmem:s2+$0xA100]  }
0x175: {  	v13 =	vld [tilespmem:s2+$0xB800]  }
0x176: {  	v14 =	vld [tilespmem:s2+$0x8A00];
	_ =	sdelay $0x1  }
0x177: {  	s4 =	simm.s32 $0x10  }
0x178: {  	v11 =	vld [tilespmem:s4+$0x5C00]  }
0x179: {  	vm3 =	vgt.s32 v10, $0x168;
	vm4 =	vne.s32 v12, v13;
	v10 =	vld [tilespmem:s4+$0xA100]  }
0x17a: {  	vm5 =	vne.s32 v14, $0x0;
	v12 =	vld [tilespmem:s4+$0xB800];
	vm3 =	vmor vm3, vm4  }
0x17b: {  	v13 =	vld [tilespmem:s4+$0x8A00];
	vm3 =	vmand vm5, vm3  }
0x17c: {  	s5 =	simm.s32 $0x80;
	v14 =	vsel vm3, $0x1, v6  }
.LBB2_18:
0x17d: {  	[tilespmem:s2+$0x7300] =	vst v14;
	v14 =	vmov v11;
	s2 =	smov.u32 s4;
	s4 =	sshra.s32 s5, $0x2;
	p1 =	sne.s32 s5, $0x5A00  }
.Ltmp8:
0x17e: {  	v11 =	vld [tilespmem:s4+$0x5C00];
	(pc) =	sbr.rel @p1 .LBB2_18-.Ltmp8, $4  }
0x17f: {  	s5 =	sadd.s32 $0x40, s5;
	vm3 =	vgt.s32 v14, $0x168;
	vm4 =	vne.s32 v10, v12;
	v10 =	vld [tilespmem:s4+$0xA100]  }
0x180: {  	v12 =	vld [tilespmem:s4+$0xB800];
	vm5 =	vne.s32 v13, $0x0;
	vm3 =	vmor vm3, vm4  }
0x181: {  	v13 =	vld [tilespmem:s4+$0x8A00];
	vm3 =	vmand vm5, vm3  }
0x182: {  	v14 =	vsel vm3, $0x1, v6  }
0x183: {  	_ =	sdelay $0x1  }
0x184: {  	vm3 =	vgt.s32 v11, $0x168;
	vm4 =	vne.s32 v10, v12  }
0x185: {  	vm5 =	vne.s32 v13, $0x0;
	vm3 =	vmor vm3, vm4  }
0x186: {  	vm3 =	vmand vm5, vm3  }
0x187: {  	[tilespmem:s2+$0x7300] =	vst v14;
	v10 =	vsel vm3, $0x1, v6  }
0x188: {  	s25 =	sadd.s32 s16, s1;
	s26 =	simm.s32 $0xB800;
	[tilespmem:s4+$0x7300] =	vst v10  }
0x189: {  	[hbm4b:s25+s7] =	stream.linear.scatter [tilespmem:s26], [sflag:$0x2], $0x1690, $0x38;
	[tilespmem:$0x1E948] =	vst v63  }
0x18a: {  	s0 =	sadd.s32 $0x1, s0;
	_ =	swait.ge [sflag:s30], $0x1690  }
0x18b: {  	s29 =	sadd.s32 s17, s1;
	p1 =	sne.s32 s0, $0x8;
	[sflag:s30] =	ssyncset.done $0x0  }
.Ltmp9:
0x18c: {  	s31 =	simm.s32 $0x7300;
	[sflag:s30] =	ssyncadd.s32 $0xFFFFE970;
	(pc) =	sbr.rel @p1 .LBB2_7-.Ltmp9, $4  }
0x18d: {  	[hbm4b:s29+s7] =	stream.linear.scatter [tilespmem:s31], [sflag:$0x2], $0x1690, $0x38;
	[tilespmem:$0x1E948] =	vst v63  }
0x18e: {  	_ =	swait.ge [sflag:s30], $0x1690  }
0x18f: {  	[sflag:s30] =	ssyncset.done $0x0  }
0x190: {  	s10 =	simm.s32 $0xEF00;
	[sflag:s30] =	ssyncadd.s32 $0xFFFFE970  }
0x191: {  	s1 =	rddreg [dreg:$0x14]  }
0x192: {  	s0 =	rddreg [dreg:$0x11];
	s1 =	sadd.s32 $0x1, s1  }
0x193: {  	p1 =	sne.s32 s1, s0  }
.Ltmp10:
0x194: {  	_ = 	snop;
	(pc) =	sbr.rel @p1 .LBB2_1-.Ltmp10, $1  }
0x195: {  	_ =	sdelay $0x3  }
0x196: {  	_ =	sfence.sel $0x180000  }
0x197: {  	[bflag:$0x0] =	sbarrier.arrive $0xFFFF  }
0x198: {  	_ =	strace $0x90000047  }
0x199: {  	[bflag:$0x2] =	sbarrier.arrive $0xFFFF  }
0x19a: {  	s0 =	rddreg [dreg:$0x6]  }
0x19b: {  	s0 =	sadd.s32 @!p0 $0x100000, s0  }
0x19c: {  	[sflag:s0] =	ssyncadd.tile.s32 @!p0 $0x1;
	_ =	shalt  }
.Lfunc_end2:
_tile_overlayer_lowered:
.L_overlay_start_2:
0x19d: {  	(tag) =	ssettag $0x2  }
0x19e: {  	s0 =	rddreg [dreg:$0x0];
	s2 =	stileid.u32  }
0x19f: {  	s1 =	rddreg [dreg:$0x1];
	p0 =	sne.s32 s2, $0x0  }
0x1a0: {  	s3 =	rddreg [dreg:$0x2];
	[bflag:$0x3] =	sbarrier.arrive $0xFFFF;
	s2 =	simm.s32 @!p0 $0x1C02  }
0x1a1: {  	[timem:s3], [sflag:s2] =	dma.local @!p0 [hbm:s0], s1  }
0x1a2: {  	s0 =	simm.s32 @!p0 $0x2  }
0x1a3: {  	_ =	swait.ge @!p0 [sflag:s0], s1  }
0x1a4: {  	s1 =	ssub.s32 @!p0 $0x0, s1;
	[sflag:s0] =	ssyncset.done @!p0 $0x0  }
0x1a5: {  	[sflag:s0] =	ssyncadd.s32 @!p0 s1  }
0x1a6: {  	[bflag:$0x3] =	sbarrier.arrive $0xFFFF  }
0x1a7: {  	_ =	shalt  }

</sc_bundles>
